<compile_context>
chip_gen: v7x
topology: tpu7x:2x2x1
jax: 0.10.2.dev20260603
libtpu: 0.0.44.dev20260713+nightly
codegen_flags: <defaults>
</compile_context>

<pallas_src>
import functools

import jax
import jax.numpy as jnp
from jax import lax
from jax.experimental import pallas as pl
from jax.experimental.pallas import tpu as pltpu
from jax.experimental.pallas import tpu_sc as plsc

R, C = 128, 32768
NC, NS, L = 2, 16, 16
NW = NC * NS
RPW = R // NW
CH = 32768
NCH_ROW = C // CH
NTASK = RPW * NCH_ROW
UNROLL = 8
NACC = 4

_mesh = plsc.VectorSubcoreMesh(core_axis_name="c", subcore_axis_name="s")


@functools.partial(
    pl.kernel,
    out_type=jax.ShapeDtypeStruct((NW, L), jnp.float32),
    mesh=_mesh,
    scratch_types=[
        pltpu.VMEM((CH,), jnp.float32),
        pltpu.VMEM((CH,), jnp.float32),
        pltpu.VMEM((L,), jnp.float32),
        pltpu.SemaphoreType.DMA,
        pltpu.SemaphoreType.DMA,
    ],
)
def _sc_rowmax(x_hbm, out_hbm, buf0, buf1, res_v, sem0, sem1):
    wid = lax.axis_index("s") * NC + lax.axis_index("c")
    base_row = wid * RPW
    bufs = (buf0, buf1)
    sems = (sem0, sem1)

    def start(t):
        r = t // NCH_ROW
        c = t % NCH_ROW
        cp = pltpu.make_async_copy(
            x_hbm.at[base_row + r, pl.ds(c * CH, CH)], bufs[t % 2], sems[t % 2]
        )
        cp.start()
        return cp

    copies = [start(0), None]

    lane = lax.iota(jnp.int32, L)
    res = jnp.zeros((L,), jnp.float32)
    accs = [jnp.zeros((L,), jnp.float32) for _ in range(NACC)]

    for t in range(NTASK):
        if t + 1 < NTASK:
            copies[(t + 1) % 2] = start(t + 1)
        copies[t % 2].wait()
        buf = bufs[t % 2]

        def body(i, a, buf=buf):
            a = list(a)
            for u in range(UNROLL):
                v = buf[pl.ds((i * UNROLL + u) * L, L)]
                a[u % NACC] = jnp.maximum(a[u % NACC], v * v)
            return tuple(a)

        accs = list(lax.fori_loop(0, CH // (L * UNROLL), body, tuple(accs)))

        if (t + 1) % NCH_ROW == 0:
            m01 = jnp.maximum(accs[0], accs[1])
            m23 = jnp.maximum(accs[2], accs[3])
            merged = jnp.maximum(m01, m23)
            vals = [merged[i] for i in range(L)]
            while len(vals) > 1:
                vals = [
                    jnp.maximum(vals[2 * i], vals[2 * i + 1])
                    for i in range(len(vals) // 2)
                ]
            r = t // NCH_ROW
            res = jnp.where(lane == r, vals[0], res)
            accs = [jnp.zeros((L,), jnp.float32) for _ in range(NACC)]

    res_v[...] = res
    pltpu.sync_copy(res_v, out_hbm.at[wid])


def kernel(x):
    out2d = _sc_rowmax(x)
    return out2d[:, :RPW].reshape(R)

# --- scband reference (transcript-rebuilt; emitter-appended) ---
"""Pipeline reference for scband-my-model-61933428414956 (READ-ONLY COPY).

The authoritative reference and input builder live on the scoring server;
editing this copy changes nothing except your own understanding.
"""

import jax, jax.numpy as jnp
import numpy as np


def setup_inputs(seed: int = 0) -> dict:
    key = jax.random.key(seed)
    x = jax.random.normal(key, (128, 32768), dtype=jnp.float32)
    return {"x": x}


def reference(x):
    y = x * x
    l = jnp.argmax(y, axis=-1)
    z = y[jnp.arange(y.shape[0]), l]
    return z

if __name__ == "__main__":
    import jax
    _d = setup_inputs()
    print(jax.jit(kernel)(*tuple(_d.values())))

</pallas_src>

<mosaic_0001>
#map = affine_map<(d0, d1) -> (0, 0)>
module attributes {stable_mosaic.version = 14 : i64} {
  func.func @_sc_rowmax(%arg0: i32, %arg1: i32, %arg2: memref<128x32768xf32, #tpu.memory_space<hbm>>, %arg3: memref<32x16xf32, #tpu.memory_space<hbm>>, %arg4: memref<32768xf32, #tpu.memory_space<vmem>>, %arg5: memref<32768xf32, #tpu.memory_space<vmem>>, %arg6: memref<16xf32, #tpu.memory_space<vmem>>, %arg7: memref<!tpu.dma_semaphore, #tpu.memory_space<semaphore_mem>>, %arg8: memref<!tpu.dma_semaphore, #tpu.memory_space<semaphore_mem>>) attributes {dimension_semantics = [#tpu.dimension_semantics<core_parallel>, #tpu.dimension_semantics<subcore_parallel>], iteration_bounds = array<i64: 2, 16>, scalar_prefetch = 0 : i64, scratch_operands = 5 : i64, tpu.core_type = #tpu.core_type<sc_vector_subcore>, window_params = [{transform_indices = #map}, {transform_indices = #map}]} {
    %mul3A = arith.constant 2 : i32
    %mul3A_0 = arith.muli %arg1, %mul3A : i32
    %add3A = arith.addi %mul3A_0, %arg0 : i32
    %mul3A_1 = arith.constant 4 : i32
    %mul3A_2 = arith.muli %add3A, %mul3A_1 : i32
    %add3A_3 = arith.constant 0 : i32
    %add3A_4 = arith.addi %mul3A_2, %add3A_3 : i32
    %dma_start3A = arith.constant 0 : i32
    %dma_start3A_5 = tpu.memref_slice %arg2[%add3A_4, %dma_start3A] : memref<128x32768xf32, #tpu.memory_space<hbm>> -> memref<1x32768xf32, #tpu.memory_space<hbm>>
    %dma_start3A_6 = tpu.memref_squeeze %dma_start3A_5 : memref<1x32768xf32, #tpu.memory_space<hbm>> -> memref<32768xf32, #tpu.memory_space<hbm>>
    %dma_start3A_7 = arith.constant 0 : i32
    %dma_start3A_8 = tpu.memref_slice %arg2[%add3A_4, %dma_start3A_7] : memref<128x32768xf32, #tpu.memory_space<hbm>> -> memref<1x32768xf32, #tpu.memory_space<hbm>>
    %dma_start3A_9 = tpu.memref_squeeze %dma_start3A_8 : memref<1x32768xf32, #tpu.memory_space<hbm>> -> memref<32768xf32, #tpu.memory_space<hbm>>
    tpu.enqueue_dma source(%dma_start3A_9 : memref<32768xf32, #tpu.memory_space<hbm>>) target(%arg4 : memref<32768xf32, #tpu.memory_space<vmem>>) target_semaphore(%arg7 : memref<!tpu.dma_semaphore, #tpu.memory_space<semaphore_mem>>)
    %iota3A = tpu.iota {dimensions = array<i32: 0>} : vector<16xi32>
    %broadcast_in_dim3A = arith.constant 0.000000e+00 : f32
    %broadcast_in_dim3A_10 = vector.broadcast %broadcast_in_dim3A : f32 to vector<16xf32>
    %broadcast_in_dim3A_11 = arith.constant 0.000000e+00 : f32
    %broadcast_in_dim3A_12 = vector.broadcast %broadcast_in_dim3A_11 : f32 to vector<16xf32>
    %broadcast_in_dim3A_13 = arith.constant 0.000000e+00 : f32
    %broadcast_in_dim3A_14 = vector.broadcast %broadcast_in_dim3A_13 : f32 to vector<16xf32>
    %broadcast_in_dim3A_15 = arith.constant 0.000000e+00 : f32
    %broadcast_in_dim3A_16 = vector.broadcast %broadcast_in_dim3A_15 : f32 to vector<16xf32>
    %broadcast_in_dim3A_17 = arith.constant 0.000000e+00 : f32
    %broadcast_in_dim3A_18 = vector.broadcast %broadcast_in_dim3A_17 : f32 to vector<16xf32>
    %add3A_19 = arith.constant 1 : i32
    %add3A_20 = arith.addi %mul3A_2, %add3A_19 : i32
    %dma_start3A_21 = arith.constant 0 : i32
    %dma_start3A_22 = tpu.memref_slice %arg2[%add3A_20, %dma_start3A_21] : memref<128x32768xf32, #tpu.memory_space<hbm>> -> memref<1x32768xf32, #tpu.memory_space<hbm>>
    %dma_start3A_23 = tpu.memref_squeeze %dma_start3A_22 : memref<1x32768xf32, #tpu.memory_space<hbm>> -> memref<32768xf32, #tpu.memory_space<hbm>>
    %dma_start3A_24 = arith.constant 0 : i32
    %dma_start3A_25 = tpu.memref_slice %arg2[%add3A_20, %dma_start3A_24] : memref<128x32768xf32, #tpu.memory_space<hbm>> -> memref<1x32768xf32, #tpu.memory_space<hbm>>
    %dma_start3A_26 = tpu.memref_squeeze %dma_start3A_25 : memref<1x32768xf32, #tpu.memory_space<hbm>> -> memref<32768xf32, #tpu.memory_space<hbm>>
    tpu.enqueue_dma source(%dma_start3A_26 : memref<32768xf32, #tpu.memory_space<hbm>>) target(%arg5 : memref<32768xf32, #tpu.memory_space<vmem>>) target_semaphore(%arg8 : memref<!tpu.dma_semaphore, #tpu.memory_space<semaphore_mem>>)
    %dma_wait3A = arith.constant 0 : i32
    %dma_wait3A_27 = tpu.memref_slice %arg2[%add3A_4, %dma_wait3A] : memref<128x32768xf32, #tpu.memory_space<hbm>> -> memref<1x32768xf32, #tpu.memory_space<hbm>>
    %dma_wait3A_28 = tpu.memref_squeeze %dma_wait3A_27 : memref<1x32768xf32, #tpu.memory_space<hbm>> -> memref<32768xf32, #tpu.memory_space<hbm>>
    %dma_wait3A_29 = arith.constant 0 : i32
    %dma_wait3A_30 = tpu.memref_slice %arg2[%add3A_4, %dma_wait3A_29] : memref<128x32768xf32, #tpu.memory_space<hbm>> -> memref<1x32768xf32, #tpu.memory_space<hbm>>
    %dma_wait3A_31 = tpu.memref_squeeze %dma_wait3A_30 : memref<1x32768xf32, #tpu.memory_space<hbm>> -> memref<32768xf32, #tpu.memory_space<hbm>>
    tpu.wait_dma2 semaphore(%arg7 : memref<!tpu.dma_semaphore, #tpu.memory_space<semaphore_mem>>) src(%dma_wait3A_31 : memref<32768xf32, #tpu.memory_space<hbm>>) dst(%arg4 : memref<32768xf32, #tpu.memory_space<vmem>>)
    %scan3A = arith.constant 0 : i32
    %scan3A_32 = arith.constant 256 : i32
    %scan3A_33 = arith.addi %scan3A, %scan3A_32 : i32
    %scan3A_34 = arith.constant 1 : i32
    %scan3A_35:4 = scf.for %scan3A_339 = %scan3A to %scan3A_33 step %scan3A_34 iter_args(%scan3A_340 = %broadcast_in_dim3A_12, %scan3A_341 = %broadcast_in_dim3A_14, %scan3A_342 = %broadcast_in_dim3A_16, %scan3A_343 = %broadcast_in_dim3A_18) -> (vector<16xf32>, vector<16xf32>, vector<16xf32>, vector<16xf32>)  : i32 {
      %mul3A_344 = arith.constant 8 : i32
      %mul3A_345 = arith.muli %scan3A_339, %mul3A_344 : i32
      %add3A_346 = arith.constant 0 : i32
      %add3A_347 = arith.addi %mul3A_345, %add3A_346 : i32
      %mul3A_348 = arith.constant 16 : i32
      %mul3A_349 = arith.muli %add3A_347, %mul3A_348 : i32
      %get3A = arith.index_cast %mul3A_349 : i32 to index
      %get3A_350 = tpu.vector_load %arg4[%get3A] {strides = array<i32>} : memref<32768xf32, #tpu.memory_space<vmem>>, vector<16xf32>,
      %get3A_351 = vector.shape_cast %get3A_350 : vector<16xf32> to vector<16xf32>
      %mul3A_352 = arith.mulf %get3A_351, %get3A_351 : vector<16xf32>
      %max3A_353 = arith.maximumf %scan3A_340, %mul3A_352 : vector<16xf32>
      %mul3A_354 = arith.constant 8 : i32
      %mul3A_355 = arith.muli %scan3A_339, %mul3A_354 : i32
      %add3A_356 = arith.constant 1 : i32
      %add3A_357 = arith.addi %mul3A_355, %add3A_356 : i32
      %mul3A_358 = arith.constant 16 : i32
      %mul3A_359 = arith.muli %add3A_357, %mul3A_358 : i32
      %get3A_360 = arith.index_cast %mul3A_359 : i32 to index
      %get3A_361 = tpu.vector_load %arg4[%get3A_360] {strides = array<i32>} : memref<32768xf32, #tpu.memory_space<vmem>>, vector<16xf32>,
      %get3A_362 = vector.shape_cast %get3A_361 : vector<16xf32> to vector<16xf32>
      %mul3A_363 = arith.mulf %get3A_362, %get3A_362 : vector<16xf32>
      %max3A_364 = arith.maximumf %scan3A_341, %mul3A_363 : vector<16xf32>
      %mul3A_365 = arith.constant 8 : i32
      %mul3A_366 = arith.muli %scan3A_339, %mul3A_365 : i32
      %add3A_367 = arith.constant 2 : i32
      %add3A_368 = arith.addi %mul3A_366, %add3A_367 : i32
      %mul3A_369 = arith.constant 16 : i32
      %mul3A_370 = arith.muli %add3A_368, %mul3A_369 : i32
      %get3A_371 = arith.index_cast %mul3A_370 : i32 to index
      %get3A_372 = tpu.vector_load %arg4[%get3A_371] {strides = array<i32>} : memref<32768xf32, #tpu.memory_space<vmem>>, vector<16xf32>,
      %get3A_373 = vector.shape_cast %get3A_372 : vector<16xf32> to vector<16xf32>
      %mul3A_374 = arith.mulf %get3A_373, %get3A_373 : vector<16xf32>
      %max3A_375 = arith.maximumf %scan3A_342, %mul3A_374 : vector<16xf32>
      %mul3A_376 = arith.constant 8 : i32
      %mul3A_377 = arith.muli %scan3A_339, %mul3A_376 : i32
      %add3A_378 = arith.constant 3 : i32
      %add3A_379 = arith.addi %mul3A_377, %add3A_378 : i32
      %mul3A_380 = arith.constant 16 : i32
      %mul3A_381 = arith.muli %add3A_379, %mul3A_380 : i32
      %get3A_382 = arith.index_cast %mul3A_381 : i32 to index
      %get3A_383 = tpu.vector_load %arg4[%get3A_382] {strides = array<i32>} : memref<32768xf32, #tpu.memory_space<vmem>>, vector<16xf32>,
      %get3A_384 = vector.shape_cast %get3A_383 : vector<16xf32> to vector<16xf32>
      %mul3A_385 = arith.mulf %get3A_384, %get3A_384 : vector<16xf32>
      %max3A_386 = arith.maximumf %scan3A_343, %mul3A_385 : vector<16xf32>
      %mul3A_387 = arith.constant 8 : i32
      %mul3A_388 = arith.muli %scan3A_339, %mul3A_387 : i32
      %add3A_389 = arith.constant 4 : i32
      %add3A_390 = arith.addi %mul3A_388, %add3A_389 : i32
      %mul3A_391 = arith.constant 16 : i32
      %mul3A_392 = arith.muli %add3A_390, %mul3A_391 : i32
      %get3A_393 = arith.index_cast %mul3A_392 : i32 to index
      %get3A_394 = tpu.vector_load %arg4[%get3A_393] {strides = array<i32>} : memref<32768xf32, #tpu.memory_space<vmem>>, vector<16xf32>,
      %get3A_395 = vector.shape_cast %get3A_394 : vector<16xf32> to vector<16xf32>
      %mul3A_396 = arith.mulf %get3A_395, %get3A_395 : vector<16xf32>
      %max3A_397 = arith.maximumf %max3A_353, %mul3A_396 : vector<16xf32>
      %mul3A_398 = arith.constant 8 : i32
      %mul3A_399 = arith.muli %scan3A_339, %mul3A_398 : i32
      %add3A_400 = arith.constant 5 : i32
      %add3A_401 = arith.addi %mul3A_399, %add3A_400 : i32
      %mul3A_402 = arith.constant 16 : i32
      %mul3A_403 = arith.muli %add3A_401, %mul3A_402 : i32
      %get3A_404 = arith.index_cast %mul3A_403 : i32 to index
      %get3A_405 = tpu.vector_load %arg4[%get3A_404] {strides = array<i32>} : memref<32768xf32, #tpu.memory_space<vmem>>, vector<16xf32>,
      %get3A_406 = vector.shape_cast %get3A_405 : vector<16xf32> to vector<16xf32>
      %mul3A_407 = arith.mulf %get3A_406, %get3A_406 : vector<16xf32>
      %max3A_408 = arith.maximumf %max3A_364, %mul3A_407 : vector<16xf32>
      %mul3A_409 = arith.constant 8 : i32
      %mul3A_410 = arith.muli %scan3A_339, %mul3A_409 : i32
      %add3A_411 = arith.constant 6 : i32
      %add3A_412 = arith.addi %mul3A_410, %add3A_411 : i32
      %mul3A_413 = arith.constant 16 : i32
      %mul3A_414 = arith.muli %add3A_412, %mul3A_413 : i32
      %get3A_415 = arith.index_cast %mul3A_414 : i32 to index
      %get3A_416 = tpu.vector_load %arg4[%get3A_415] {strides = array<i32>} : memref<32768xf32, #tpu.memory_space<vmem>>, vector<16xf32>,
      %get3A_417 = vector.shape_cast %get3A_416 : vector<16xf32> to vector<16xf32>
      %mul3A_418 = arith.mulf %get3A_417, %get3A_417 : vector<16xf32>
      %max3A_419 = arith.maximumf %max3A_375, %mul3A_418 : vector<16xf32>
      %mul3A_420 = arith.constant 8 : i32
      %mul3A_421 = arith.muli %scan3A_339, %mul3A_420 : i32
      %add3A_422 = arith.constant 7 : i32
      %add3A_423 = arith.addi %mul3A_421, %add3A_422 : i32
      %mul3A_424 = arith.constant 16 : i32
      %mul3A_425 = arith.muli %add3A_423, %mul3A_424 : i32
      %get3A_426 = arith.index_cast %mul3A_425 : i32 to index
      %get3A_427 = tpu.vector_load %arg4[%get3A_426] {strides = array<i32>} : memref<32768xf32, #tpu.memory_space<vmem>>, vector<16xf32>,
      %get3A_428 = vector.shape_cast %get3A_427 : vector<16xf32> to vector<16xf32>
      %mul3A_429 = arith.mulf %get3A_428, %get3A_428 : vector<16xf32>
      %max3A_430 = arith.maximumf %max3A_386, %mul3A_429 : vector<16xf32>
      scf.yield %max3A_397, %max3A_408, %max3A_419, %max3A_430 : vector<16xf32>, vector<16xf32>, vector<16xf32>, vector<16xf32>
    }
    %scan3A_36 = arith.constant 256 : i32
    %max3A = arith.maximumf %scan3A_35#0, %scan3A_35#1 : vector<16xf32>
    %max3A_37 = arith.maximumf %scan3A_35#2, %scan3A_35#3 : vector<16xf32>
    %max3A_38 = arith.maximumf %max3A, %max3A_37 : vector<16xf32>
    %slice3A = vector.extract_strided_slice %max3A_38 {offsets = [0], sizes = [1], strides = [1]} : vector<16xf32> to vector<1xf32>
    %squeeze3A = vector.extract %slice3A[0] : f32 from vector<1xf32>
    %slice3A_39 = vector.extract_strided_slice %max3A_38 {offsets = [1], sizes = [1], strides = [1]} : vector<16xf32> to vector<1xf32>
    %squeeze3A_40 = vector.extract %slice3A_39[0] : f32 from vector<1xf32>
    %slice3A_41 = vector.extract_strided_slice %max3A_38 {offsets = [2], sizes = [1], strides = [1]} : vector<16xf32> to vector<1xf32>
    %squeeze3A_42 = vector.extract %slice3A_41[0] : f32 from vector<1xf32>
    %slice3A_43 = vector.extract_strided_slice %max3A_38 {offsets = [3], sizes = [1], strides = [1]} : vector<16xf32> to vector<1xf32>
    %squeeze3A_44 = vector.extract %slice3A_43[0] : f32 from vector<1xf32>
    %slice3A_45 = vector.extract_strided_slice %max3A_38 {offsets = [4], sizes = [1], strides = [1]} : vector<16xf32> to vector<1xf32>
    %squeeze3A_46 = vector.extract %slice3A_45[0] : f32 from vector<1xf32>
    %slice3A_47 = vector.extract_strided_slice %max3A_38 {offsets = [5], sizes = [1], strides = [1]} : vector<16xf32> to vector<1xf32>
    %squeeze3A_48 = vector.extract %slice3A_47[0] : f32 from vector<1xf32>
    %slice3A_49 = vector.extract_strided_slice %max3A_38 {offsets = [6], sizes = [1], strides = [1]} : vector<16xf32> to vector<1xf32>
    %squeeze3A_50 = vector.extract %slice3A_49[0] : f32 from vector<1xf32>
    %slice3A_51 = vector.extract_strided_slice %max3A_38 {offsets = [7], sizes = [1], strides = [1]} : vector<16xf32> to vector<1xf32>
    %squeeze3A_52 = vector.extract %slice3A_51[0] : f32 from vector<1xf32>
    %slice3A_53 = vector.extract_strided_slice %max3A_38 {offsets = [8], sizes = [1], strides = [1]} : vector<16xf32> to vector<1xf32>
    %squeeze3A_54 = vector.extract %slice3A_53[0] : f32 from vector<1xf32>
    %slice3A_55 = vector.extract_strided_slice %max3A_38 {offsets = [9], sizes = [1], strides = [1]} : vector<16xf32> to vector<1xf32>
    %squeeze3A_56 = vector.extract %slice3A_55[0] : f32 from vector<1xf32>
    %slice3A_57 = vector.extract_strided_slice %max3A_38 {offsets = [10], sizes = [1], strides = [1]} : vector<16xf32> to vector<1xf32>
    %squeeze3A_58 = vector.extract %slice3A_57[0] : f32 from vector<1xf32>
    %slice3A_59 = vector.extract_strided_slice %max3A_38 {offsets = [11], sizes = [1], strides = [1]} : vector<16xf32> to vector<1xf32>
    %squeeze3A_60 = vector.extract %slice3A_59[0] : f32 from vector<1xf32>
    %slice3A_61 = vector.extract_strided_slice %max3A_38 {offsets = [12], sizes = [1], strides = [1]} : vector<16xf32> to vector<1xf32>
    %squeeze3A_62 = vector.extract %slice3A_61[0] : f32 from vector<1xf32>
    %slice3A_63 = vector.extract_strided_slice %max3A_38 {offsets = [13], sizes = [1], strides = [1]} : vector<16xf32> to vector<1xf32>
    %squeeze3A_64 = vector.extract %slice3A_63[0] : f32 from vector<1xf32>
    %slice3A_65 = vector.extract_strided_slice %max3A_38 {offsets = [14], sizes = [1], strides = [1]} : vector<16xf32> to vector<1xf32>
    %squeeze3A_66 = vector.extract %slice3A_65[0] : f32 from vector<1xf32>
    %slice3A_67 = vector.extract_strided_slice %max3A_38 {offsets = [15], sizes = [1], strides = [1]} : vector<16xf32> to vector<1xf32>
    %squeeze3A_68 = vector.extract %slice3A_67[0] : f32 from vector<1xf32>
    %max3A_69 = arith.maximumf %squeeze3A, %squeeze3A_40 : f32
    %max3A_70 = arith.maximumf %squeeze3A_42, %squeeze3A_44 : f32
    %max3A_71 = arith.maximumf %squeeze3A_46, %squeeze3A_48 : f32
    %max3A_72 = arith.maximumf %squeeze3A_50, %squeeze3A_52 : f32
    %max3A_73 = arith.maximumf %squeeze3A_54, %squeeze3A_56 : f32
    %max3A_74 = arith.maximumf %squeeze3A_58, %squeeze3A_60 : f32
    %max3A_75 = arith.maximumf %squeeze3A_62, %squeeze3A_64 : f32
    %max3A_76 = arith.maximumf %squeeze3A_66, %squeeze3A_68 : f32
    %max3A_77 = arith.maximumf %max3A_69, %max3A_70 : f32
    %max3A_78 = arith.maximumf %max3A_71, %max3A_72 : f32
    %max3A_79 = arith.maximumf %max3A_73, %max3A_74 : f32
    %max3A_80 = arith.maximumf %max3A_75, %max3A_76 : f32
    %max3A_81 = arith.maximumf %max3A_77, %max3A_78 : f32
    %max3A_82 = arith.maximumf %max3A_79, %max3A_80 : f32
    %max3A_83 = arith.maximumf %max3A_81, %max3A_82 : f32
    %eq3A = arith.constant 0 : i32
    %eq3A_84 = vector.broadcast %eq3A : i32 to vector<16xi32>
    %eq3A_85 = arith.cmpi eq, %iota3A, %eq3A_84 : vector<16xi32>
    %broadcast_in_dim3A_86 = vector.broadcast %max3A_83 : f32 to vector<16xf32>
    %select_n3A = arith.select %eq3A_85, %broadcast_in_dim3A_86, %broadcast_in_dim3A_10 : vector<16xi1>, vector<16xf32>
    %broadcast_in_dim3A_87 = arith.constant 0.000000e+00 : f32
    %broadcast_in_dim3A_88 = vector.broadcast %broadcast_in_dim3A_87 : f32 to vector<16xf32>
    %broadcast_in_dim3A_89 = arith.constant 0.000000e+00 : f32
    %broadcast_in_dim3A_90 = vector.broadcast %broadcast_in_dim3A_89 : f32 to vector<16xf32>
    %broadcast_in_dim3A_91 = arith.constant 0.000000e+00 : f32
    %broadcast_in_dim3A_92 = vector.broadcast %broadcast_in_dim3A_91 : f32 to vector<16xf32>
    %broadcast_in_dim3A_93 = arith.constant 0.000000e+00 : f32
    %broadcast_in_dim3A_94 = vector.broadcast %broadcast_in_dim3A_93 : f32 to vector<16xf32>
    %add3A_95 = arith.constant 2 : i32
    %add3A_96 = arith.addi %mul3A_2, %add3A_95 : i32
    %dma_start3A_97 = arith.constant 0 : i32
    %dma_start3A_98 = tpu.memref_slice %arg2[%add3A_96, %dma_start3A_97] : memref<128x32768xf32, #tpu.memory_space<hbm>> -> memref<1x32768xf32, #tpu.memory_space<hbm>>
    %dma_start3A_99 = tpu.memref_squeeze %dma_start3A_98 : memref<1x32768xf32, #tpu.memory_space<hbm>> -> memref<32768xf32, #tpu.memory_space<hbm>>
    %dma_start3A_100 = arith.constant 0 : i32
    %dma_start3A_101 = tpu.memref_slice %arg2[%add3A_96, %dma_start3A_100] : memref<128x32768xf32, #tpu.memory_space<hbm>> -> memref<1x32768xf32, #tpu.memory_space<hbm>>
    %dma_start3A_102 = tpu.memref_squeeze %dma_start3A_101 : memref<1x32768xf32, #tpu.memory_space<hbm>> -> memref<32768xf32, #tpu.memory_space<hbm>>
    tpu.enqueue_dma source(%dma_start3A_102 : memref<32768xf32, #tpu.memory_space<hbm>>) target(%arg4 : memref<32768xf32, #tpu.memory_space<vmem>>) target_semaphore(%arg7 : memref<!tpu.dma_semaphore, #tpu.memory_space<semaphore_mem>>)
    %dma_wait3A_103 = arith.constant 0 : i32
    %dma_wait3A_104 = tpu.memref_slice %arg2[%add3A_20, %dma_wait3A_103] : memref<128x32768xf32, #tpu.memory_space<hbm>> -> memref<1x32768xf32, #tpu.memory_space<hbm>>
    %dma_wait3A_105 = tpu.memref_squeeze %dma_wait3A_104 : memref<1x32768xf32, #tpu.memory_space<hbm>> -> memref<32768xf32, #tpu.memory_space<hbm>>
    %dma_wait3A_106 = arith.constant 0 : i32
    %dma_wait3A_107 = tpu.memref_slice %arg2[%add3A_20, %dma_wait3A_106] : memref<128x32768xf32, #tpu.memory_space<hbm>> -> memref<1x32768xf32, #tpu.memory_space<hbm>>
    %dma_wait3A_108 = tpu.memref_squeeze %dma_wait3A_107 : memref<1x32768xf32, #tpu.memory_space<hbm>> -> memref<32768xf32, #tpu.memory_space<hbm>>
    tpu.wait_dma2 semaphore(%arg8 : memref<!tpu.dma_semaphore, #tpu.memory_space<semaphore_mem>>) src(%dma_wait3A_108 : memref<32768xf32, #tpu.memory_space<hbm>>) dst(%arg5 : memref<32768xf32, #tpu.memory_space<vmem>>)
    %scan3A_109 = arith.constant 0 : i32
    %scan3A_110 = arith.constant 256 : i32
    %scan3A_111 = arith.addi %scan3A_109, %scan3A_110 : i32
    %scan3A_112 = arith.constant 1 : i32
    %scan3A_113:4 = scf.for %scan3A_339 = %scan3A_109 to %scan3A_111 step %scan3A_112 iter_args(%scan3A_340 = %broadcast_in_dim3A_88, %scan3A_341 = %broadcast_in_dim3A_90, %scan3A_342 = %broadcast_in_dim3A_92, %scan3A_343 = %broadcast_in_dim3A_94) -> (vector<16xf32>, vector<16xf32>, vector<16xf32>, vector<16xf32>)  : i32 {
      %mul3A_344 = arith.constant 8 : i32
      %mul3A_345 = arith.muli %scan3A_339, %mul3A_344 : i32
      %add3A_346 = arith.constant 0 : i32
      %add3A_347 = arith.addi %mul3A_345, %add3A_346 : i32
      %mul3A_348 = arith.constant 16 : i32
      %mul3A_349 = arith.muli %add3A_347, %mul3A_348 : i32
      %get3A = arith.index_cast %mul3A_349 : i32 to index
      %get3A_350 = tpu.vector_load %arg5[%get3A] {strides = array<i32>} : memref<32768xf32, #tpu.memory_space<vmem>>, vector<16xf32>,
      %get3A_351 = vector.shape_cast %get3A_350 : vector<16xf32> to vector<16xf32>
      %mul3A_352 = arith.mulf %get3A_351, %get3A_351 : vector<16xf32>
      %max3A_353 = arith.maximumf %scan3A_340, %mul3A_352 : vector<16xf32>
      %mul3A_354 = arith.constant 8 : i32
      %mul3A_355 = arith.muli %scan3A_339, %mul3A_354 : i32
      %add3A_356 = arith.constant 1 : i32
      %add3A_357 = arith.addi %mul3A_355, %add3A_356 : i32
      %mul3A_358 = arith.constant 16 : i32
      %mul3A_359 = arith.muli %add3A_357, %mul3A_358 : i32
      %get3A_360 = arith.index_cast %mul3A_359 : i32 to index
      %get3A_361 = tpu.vector_load %arg5[%get3A_360] {strides = array<i32>} : memref<32768xf32, #tpu.memory_space<vmem>>, vector<16xf32>,
      %get3A_362 = vector.shape_cast %get3A_361 : vector<16xf32> to vector<16xf32>
      %mul3A_363 = arith.mulf %get3A_362, %get3A_362 : vector<16xf32>
      %max3A_364 = arith.maximumf %scan3A_341, %mul3A_363 : vector<16xf32>
      %mul3A_365 = arith.constant 8 : i32
      %mul3A_366 = arith.muli %scan3A_339, %mul3A_365 : i32
      %add3A_367 = arith.constant 2 : i32
      %add3A_368 = arith.addi %mul3A_366, %add3A_367 : i32
      %mul3A_369 = arith.constant 16 : i32
      %mul3A_370 = arith.muli %add3A_368, %mul3A_369 : i32
      %get3A_371 = arith.index_cast %mul3A_370 : i32 to index
      %get3A_372 = tpu.vector_load %arg5[%get3A_371] {strides = array<i32>} : memref<32768xf32, #tpu.memory_space<vmem>>, vector<16xf32>,
      %get3A_373 = vector.shape_cast %get3A_372 : vector<16xf32> to vector<16xf32>
      %mul3A_374 = arith.mulf %get3A_373, %get3A_373 : vector<16xf32>
      %max3A_375 = arith.maximumf %scan3A_342, %mul3A_374 : vector<16xf32>
      %mul3A_376 = arith.constant 8 : i32
      %mul3A_377 = arith.muli %scan3A_339, %mul3A_376 : i32
      %add3A_378 = arith.constant 3 : i32
      %add3A_379 = arith.addi %mul3A_377, %add3A_378 : i32
      %mul3A_380 = arith.constant 16 : i32
      %mul3A_381 = arith.muli %add3A_379, %mul3A_380 : i32
      %get3A_382 = arith.index_cast %mul3A_381 : i32 to index
      %get3A_383 = tpu.vector_load %arg5[%get3A_382] {strides = array<i32>} : memref<32768xf32, #tpu.memory_space<vmem>>, vector<16xf32>,
      %get3A_384 = vector.shape_cast %get3A_383 : vector<16xf32> to vector<16xf32>
      %mul3A_385 = arith.mulf %get3A_384, %get3A_384 : vector<16xf32>
      %max3A_386 = arith.maximumf %scan3A_343, %mul3A_385 : vector<16xf32>
      %mul3A_387 = arith.constant 8 : i32
      %mul3A_388 = arith.muli %scan3A_339, %mul3A_387 : i32
      %add3A_389 = arith.constant 4 : i32
      %add3A_390 = arith.addi %mul3A_388, %add3A_389 : i32
      %mul3A_391 = arith.constant 16 : i32
      %mul3A_392 = arith.muli %add3A_390, %mul3A_391 : i32
      %get3A_393 = arith.index_cast %mul3A_392 : i32 to index
      %get3A_394 = tpu.vector_load %arg5[%get3A_393] {strides = array<i32>} : memref<32768xf32, #tpu.memory_space<vmem>>, vector<16xf32>,
      %get3A_395 = vector.shape_cast %get3A_394 : vector<16xf32> to vector<16xf32>
      %mul3A_396 = arith.mulf %get3A_395, %get3A_395 : vector<16xf32>
      %max3A_397 = arith.maximumf %max3A_353, %mul3A_396 : vector<16xf32>
      %mul3A_398 = arith.constant 8 : i32
      %mul3A_399 = arith.muli %scan3A_339, %mul3A_398 : i32
      %add3A_400 = arith.constant 5 : i32
      %add3A_401 = arith.addi %mul3A_399, %add3A_400 : i32
      %mul3A_402 = arith.constant 16 : i32
      %mul3A_403 = arith.muli %add3A_401, %mul3A_402 : i32
      %get3A_404 = arith.index_cast %mul3A_403 : i32 to index
      %get3A_405 = tpu.vector_load %arg5[%get3A_404] {strides = array<i32>} : memref<32768xf32, #tpu.memory_space<vmem>>, vector<16xf32>,
      %get3A_406 = vector.shape_cast %get3A_405 : vector<16xf32> to vector<16xf32>
      %mul3A_407 = arith.mulf %get3A_406, %get3A_406 : vector<16xf32>
      %max3A_408 = arith.maximumf %max3A_364, %mul3A_407 : vector<16xf32>
      %mul3A_409 = arith.constant 8 : i32
      %mul3A_410 = arith.muli %scan3A_339, %mul3A_409 : i32
      %add3A_411 = arith.constant 6 : i32
      %add3A_412 = arith.addi %mul3A_410, %add3A_411 : i32
      %mul3A_413 = arith.constant 16 : i32
      %mul3A_414 = arith.muli %add3A_412, %mul3A_413 : i32
      %get3A_415 = arith.index_cast %mul3A_414 : i32 to index
      %get3A_416 = tpu.vector_load %arg5[%get3A_415] {strides = array<i32>} : memref<32768xf32, #tpu.memory_space<vmem>>, vector<16xf32>,
      %get3A_417 = vector.shape_cast %get3A_416 : vector<16xf32> to vector<16xf32>
      %mul3A_418 = arith.mulf %get3A_417, %get3A_417 : vector<16xf32>
      %max3A_419 = arith.maximumf %max3A_375, %mul3A_418 : vector<16xf32>
      %mul3A_420 = arith.constant 8 : i32
      %mul3A_421 = arith.muli %scan3A_339, %mul3A_420 : i32
      %add3A_422 = arith.constant 7 : i32
      %add3A_423 = arith.addi %mul3A_421, %add3A_422 : i32
      %mul3A_424 = arith.constant 16 : i32
      %mul3A_425 = arith.muli %add3A_423, %mul3A_424 : i32
      %get3A_426 = arith.index_cast %mul3A_425 : i32 to index
      %get3A_427 = tpu.vector_load %arg5[%get3A_426] {strides = array<i32>} : memref<32768xf32, #tpu.memory_space<vmem>>, vector<16xf32>,
      %get3A_428 = vector.shape_cast %get3A_427 : vector<16xf32> to vector<16xf32>
      %mul3A_429 = arith.mulf %get3A_428, %get3A_428 : vector<16xf32>
      %max3A_430 = arith.maximumf %max3A_386, %mul3A_429 : vector<16xf32>
      scf.yield %max3A_397, %max3A_408, %max3A_419, %max3A_430 : vector<16xf32>, vector<16xf32>, vector<16xf32>, vector<16xf32>
    }
    %scan3A_114 = arith.constant 256 : i32
    %max3A_115 = arith.maximumf %scan3A_113#0, %scan3A_113#1 : vector<16xf32>
    %max3A_116 = arith.maximumf %scan3A_113#2, %scan3A_113#3 : vector<16xf32>
    %max3A_117 = arith.maximumf %max3A_115, %max3A_116 : vector<16xf32>
    %slice3A_118 = vector.extract_strided_slice %max3A_117 {offsets = [0], sizes = [1], strides = [1]} : vector<16xf32> to vector<1xf32>
    %squeeze3A_119 = vector.extract %slice3A_118[0] : f32 from vector<1xf32>
    %slice3A_120 = vector.extract_strided_slice %max3A_117 {offsets = [1], sizes = [1], strides = [1]} : vector<16xf32> to vector<1xf32>
    %squeeze3A_121 = vector.extract %slice3A_120[0] : f32 from vector<1xf32>
    %slice3A_122 = vector.extract_strided_slice %max3A_117 {offsets = [2], sizes = [1], strides = [1]} : vector<16xf32> to vector<1xf32>
    %squeeze3A_123 = vector.extract %slice3A_122[0] : f32 from vector<1xf32>
    %slice3A_124 = vector.extract_strided_slice %max3A_117 {offsets = [3], sizes = [1], strides = [1]} : vector<16xf32> to vector<1xf32>
    %squeeze3A_125 = vector.extract %slice3A_124[0] : f32 from vector<1xf32>
    %slice3A_126 = vector.extract_strided_slice %max3A_117 {offsets = [4], sizes = [1], strides = [1]} : vector<16xf32> to vector<1xf32>
    %squeeze3A_127 = vector.extract %slice3A_126[0] : f32 from vector<1xf32>
    %slice3A_128 = vector.extract_strided_slice %max3A_117 {offsets = [5], sizes = [1], strides = [1]} : vector<16xf32> to vector<1xf32>
    %squeeze3A_129 = vector.extract %slice3A_128[0] : f32 from vector<1xf32>
    %slice3A_130 = vector.extract_strided_slice %max3A_117 {offsets = [6], sizes = [1], strides = [1]} : vector<16xf32> to vector<1xf32>
    %squeeze3A_131 = vector.extract %slice3A_130[0] : f32 from vector<1xf32>
    %slice3A_132 = vector.extract_strided_slice %max3A_117 {offsets = [7], sizes = [1], strides = [1]} : vector<16xf32> to vector<1xf32>
    %squeeze3A_133 = vector.extract %slice3A_132[0] : f32 from vector<1xf32>
    %slice3A_134 = vector.extract_strided_slice %max3A_117 {offsets = [8], sizes = [1], strides = [1]} : vector<16xf32> to vector<1xf32>
    %squeeze3A_135 = vector.extract %slice3A_134[0] : f32 from vector<1xf32>
    %slice3A_136 = vector.extract_strided_slice %max3A_117 {offsets = [9], sizes = [1], strides = [1]} : vector<16xf32> to vector<1xf32>
    %squeeze3A_137 = vector.extract %slice3A_136[0] : f32 from vector<1xf32>
    %slice3A_138 = vector.extract_strided_slice %max3A_117 {offsets = [10], sizes = [1], strides = [1]} : vector<16xf32> to vector<1xf32>
    %squeeze3A_139 = vector.extract %slice3A_138[0] : f32 from vector<1xf32>
    %slice3A_140 = vector.extract_strided_slice %max3A_117 {offsets = [11], sizes = [1], strides = [1]} : vector<16xf32> to vector<1xf32>
    %squeeze3A_141 = vector.extract %slice3A_140[0] : f32 from vector<1xf32>
    %slice3A_142 = vector.extract_strided_slice %max3A_117 {offsets = [12], sizes = [1], strides = [1]} : vector<16xf32> to vector<1xf32>
    %squeeze3A_143 = vector.extract %slice3A_142[0] : f32 from vector<1xf32>
    %slice3A_144 = vector.extract_strided_slice %max3A_117 {offsets = [13], sizes = [1], strides = [1]} : vector<16xf32> to vector<1xf32>
    %squeeze3A_145 = vector.extract %slice3A_144[0] : f32 from vector<1xf32>
    %slice3A_146 = vector.extract_strided_slice %max3A_117 {offsets = [14], sizes = [1], strides = [1]} : vector<16xf32> to vector<1xf32>
    %squeeze3A_147 = vector.extract %slice3A_146[0] : f32 from vector<1xf32>
    %slice3A_148 = vector.extract_strided_slice %max3A_117 {offsets = [15], sizes = [1], strides = [1]} : vector<16xf32> to vector<1xf32>
    %squeeze3A_149 = vector.extract %slice3A_148[0] : f32 from vector<1xf32>
    %max3A_150 = arith.maximumf %squeeze3A_119, %squeeze3A_121 : f32
    %max3A_151 = arith.maximumf %squeeze3A_123, %squeeze3A_125 : f32
    %max3A_152 = arith.maximumf %squeeze3A_127, %squeeze3A_129 : f32
    %max3A_153 = arith.maximumf %squeeze3A_131, %squeeze3A_133 : f32
    %max3A_154 = arith.maximumf %squeeze3A_135, %squeeze3A_137 : f32
    %max3A_155 = arith.maximumf %squeeze3A_139, %squeeze3A_141 : f32
    %max3A_156 = arith.maximumf %squeeze3A_143, %squeeze3A_145 : f32
    %max3A_157 = arith.maximumf %squeeze3A_147, %squeeze3A_149 : f32
    %max3A_158 = arith.maximumf %max3A_150, %max3A_151 : f32
    %max3A_159 = arith.maximumf %max3A_152, %max3A_153 : f32
    %max3A_160 = arith.maximumf %max3A_154, %max3A_155 : f32
    %max3A_161 = arith.maximumf %max3A_156, %max3A_157 : f32
    %max3A_162 = arith.maximumf %max3A_158, %max3A_159 : f32
    %max3A_163 = arith.maximumf %max3A_160, %max3A_161 : f32
    %max3A_164 = arith.maximumf %max3A_162, %max3A_163 : f32
    %eq3A_165 = arith.constant 1 : i32
    %eq3A_166 = vector.broadcast %eq3A_165 : i32 to vector<16xi32>
    %eq3A_167 = arith.cmpi eq, %iota3A, %eq3A_166 : vector<16xi32>
    %broadcast_in_dim3A_168 = vector.broadcast %max3A_164 : f32 to vector<16xf32>
    %select_n3A_169 = arith.select %eq3A_167, %broadcast_in_dim3A_168, %select_n3A : vector<16xi1>, vector<16xf32>
    %broadcast_in_dim3A_170 = arith.constant 0.000000e+00 : f32
    %broadcast_in_dim3A_171 = vector.broadcast %broadcast_in_dim3A_170 : f32 to vector<16xf32>
    %broadcast_in_dim3A_172 = arith.constant 0.000000e+00 : f32
    %broadcast_in_dim3A_173 = vector.broadcast %broadcast_in_dim3A_172 : f32 to vector<16xf32>
    %broadcast_in_dim3A_174 = arith.constant 0.000000e+00 : f32
    %broadcast_in_dim3A_175 = vector.broadcast %broadcast_in_dim3A_174 : f32 to vector<16xf32>
    %broadcast_in_dim3A_176 = arith.constant 0.000000e+00 : f32
    %broadcast_in_dim3A_177 = vector.broadcast %broadcast_in_dim3A_176 : f32 to vector<16xf32>
    %add3A_178 = arith.constant 3 : i32
    %add3A_179 = arith.addi %mul3A_2, %add3A_178 : i32
    %dma_start3A_180 = arith.constant 0 : i32
    %dma_start3A_181 = tpu.memref_slice %arg2[%add3A_179, %dma_start3A_180] : memref<128x32768xf32, #tpu.memory_space<hbm>> -> memref<1x32768xf32, #tpu.memory_space<hbm>>
    %dma_start3A_182 = tpu.memref_squeeze %dma_start3A_181 : memref<1x32768xf32, #tpu.memory_space<hbm>> -> memref<32768xf32, #tpu.memory_space<hbm>>
    %dma_start3A_183 = arith.constant 0 : i32
    %dma_start3A_184 = tpu.memref_slice %arg2[%add3A_179, %dma_start3A_183] : memref<128x32768xf32, #tpu.memory_space<hbm>> -> memref<1x32768xf32, #tpu.memory_space<hbm>>
    %dma_start3A_185 = tpu.memref_squeeze %dma_start3A_184 : memref<1x32768xf32, #tpu.memory_space<hbm>> -> memref<32768xf32, #tpu.memory_space<hbm>>
    tpu.enqueue_dma source(%dma_start3A_185 : memref<32768xf32, #tpu.memory_space<hbm>>) target(%arg5 : memref<32768xf32, #tpu.memory_space<vmem>>) target_semaphore(%arg8 : memref<!tpu.dma_semaphore, #tpu.memory_space<semaphore_mem>>)
    %dma_wait3A_186 = arith.constant 0 : i32
    %dma_wait3A_187 = tpu.memref_slice %arg2[%add3A_96, %dma_wait3A_186] : memref<128x32768xf32, #tpu.memory_space<hbm>> -> memref<1x32768xf32, #tpu.memory_space<hbm>>
    %dma_wait3A_188 = tpu.memref_squeeze %dma_wait3A_187 : memref<1x32768xf32, #tpu.memory_space<hbm>> -> memref<32768xf32, #tpu.memory_space<hbm>>
    %dma_wait3A_189 = arith.constant 0 : i32
    %dma_wait3A_190 = tpu.memref_slice %arg2[%add3A_96, %dma_wait3A_189] : memref<128x32768xf32, #tpu.memory_space<hbm>> -> memref<1x32768xf32, #tpu.memory_space<hbm>>
    %dma_wait3A_191 = tpu.memref_squeeze %dma_wait3A_190 : memref<1x32768xf32, #tpu.memory_space<hbm>> -> memref<32768xf32, #tpu.memory_space<hbm>>
    tpu.wait_dma2 semaphore(%arg7 : memref<!tpu.dma_semaphore, #tpu.memory_space<semaphore_mem>>) src(%dma_wait3A_191 : memref<32768xf32, #tpu.memory_space<hbm>>) dst(%arg4 : memref<32768xf32, #tpu.memory_space<vmem>>)
    %scan3A_192 = arith.constant 0 : i32
    %scan3A_193 = arith.constant 256 : i32
    %scan3A_194 = arith.addi %scan3A_192, %scan3A_193 : i32
    %scan3A_195 = arith.constant 1 : i32
    %scan3A_196:4 = scf.for %scan3A_339 = %scan3A_192 to %scan3A_194 step %scan3A_195 iter_args(%scan3A_340 = %broadcast_in_dim3A_171, %scan3A_341 = %broadcast_in_dim3A_173, %scan3A_342 = %broadcast_in_dim3A_175, %scan3A_343 = %broadcast_in_dim3A_177) -> (vector<16xf32>, vector<16xf32>, vector<16xf32>, vector<16xf32>)  : i32 {
      %mul3A_344 = arith.constant 8 : i32
      %mul3A_345 = arith.muli %scan3A_339, %mul3A_344 : i32
      %add3A_346 = arith.constant 0 : i32
      %add3A_347 = arith.addi %mul3A_345, %add3A_346 : i32
      %mul3A_348 = arith.constant 16 : i32
      %mul3A_349 = arith.muli %add3A_347, %mul3A_348 : i32
      %get3A = arith.index_cast %mul3A_349 : i32 to index
      %get3A_350 = tpu.vector_load %arg4[%get3A] {strides = array<i32>} : memref<32768xf32, #tpu.memory_space<vmem>>, vector<16xf32>,
      %get3A_351 = vector.shape_cast %get3A_350 : vector<16xf32> to vector<16xf32>
      %mul3A_352 = arith.mulf %get3A_351, %get3A_351 : vector<16xf32>
      %max3A_353 = arith.maximumf %scan3A_340, %mul3A_352 : vector<16xf32>
      %mul3A_354 = arith.constant 8 : i32
      %mul3A_355 = arith.muli %scan3A_339, %mul3A_354 : i32
      %add3A_356 = arith.constant 1 : i32
      %add3A_357 = arith.addi %mul3A_355, %add3A_356 : i32
      %mul3A_358 = arith.constant 16 : i32
      %mul3A_359 = arith.muli %add3A_357, %mul3A_358 : i32
      %get3A_360 = arith.index_cast %mul3A_359 : i32 to index
      %get3A_361 = tpu.vector_load %arg4[%get3A_360] {strides = array<i32>} : memref<32768xf32, #tpu.memory_space<vmem>>, vector<16xf32>,
      %get3A_362 = vector.shape_cast %get3A_361 : vector<16xf32> to vector<16xf32>
      %mul3A_363 = arith.mulf %get3A_362, %get3A_362 : vector<16xf32>
      %max3A_364 = arith.maximumf %scan3A_341, %mul3A_363 : vector<16xf32>
      %mul3A_365 = arith.constant 8 : i32
      %mul3A_366 = arith.muli %scan3A_339, %mul3A_365 : i32
      %add3A_367 = arith.constant 2 : i32
      %add3A_368 = arith.addi %mul3A_366, %add3A_367 : i32
      %mul3A_369 = arith.constant 16 : i32
      %mul3A_370 = arith.muli %add3A_368, %mul3A_369 : i32
      %get3A_371 = arith.index_cast %mul3A_370 : i32 to index
      %get3A_372 = tpu.vector_load %arg4[%get3A_371] {strides = array<i32>} : memref<32768xf32, #tpu.memory_space<vmem>>, vector<16xf32>,
      %get3A_373 = vector.shape_cast %get3A_372 : vector<16xf32> to vector<16xf32>
      %mul3A_374 = arith.mulf %get3A_373, %get3A_373 : vector<16xf32>
      %max3A_375 = arith.maximumf %scan3A_342, %mul3A_374 : vector<16xf32>
      %mul3A_376 = arith.constant 8 : i32
      %mul3A_377 = arith.muli %scan3A_339, %mul3A_376 : i32
      %add3A_378 = arith.constant 3 : i32
      %add3A_379 = arith.addi %mul3A_377, %add3A_378 : i32
      %mul3A_380 = arith.constant 16 : i32
      %mul3A_381 = arith.muli %add3A_379, %mul3A_380 : i32
      %get3A_382 = arith.index_cast %mul3A_381 : i32 to index
      %get3A_383 = tpu.vector_load %arg4[%get3A_382] {strides = array<i32>} : memref<32768xf32, #tpu.memory_space<vmem>>, vector<16xf32>,
      %get3A_384 = vector.shape_cast %get3A_383 : vector<16xf32> to vector<16xf32>
      %mul3A_385 = arith.mulf %get3A_384, %get3A_384 : vector<16xf32>
      %max3A_386 = arith.maximumf %scan3A_343, %mul3A_385 : vector<16xf32>
      %mul3A_387 = arith.constant 8 : i32
      %mul3A_388 = arith.muli %scan3A_339, %mul3A_387 : i32
      %add3A_389 = arith.constant 4 : i32
      %add3A_390 = arith.addi %mul3A_388, %add3A_389 : i32
      %mul3A_391 = arith.constant 16 : i32
      %mul3A_392 = arith.muli %add3A_390, %mul3A_391 : i32
      %get3A_393 = arith.index_cast %mul3A_392 : i32 to index
      %get3A_394 = tpu.vector_load %arg4[%get3A_393] {strides = array<i32>} : memref<32768xf32, #tpu.memory_space<vmem>>, vector<16xf32>,
      %get3A_395 = vector.shape_cast %get3A_394 : vector<16xf32> to vector<16xf32>
      %mul3A_396 = arith.mulf %get3A_395, %get3A_395 : vector<16xf32>
      %max3A_397 = arith.maximumf %max3A_353, %mul3A_396 : vector<16xf32>
      %mul3A_398 = arith.constant 8 : i32
      %mul3A_399 = arith.muli %scan3A_339, %mul3A_398 : i32
      %add3A_400 = arith.constant 5 : i32
      %add3A_401 = arith.addi %mul3A_399, %add3A_400 : i32
      %mul3A_402 = arith.constant 16 : i32
      %mul3A_403 = arith.muli %add3A_401, %mul3A_402 : i32
      %get3A_404 = arith.index_cast %mul3A_403 : i32 to index
      %get3A_405 = tpu.vector_load %arg4[%get3A_404] {strides = array<i32>} : memref<32768xf32, #tpu.memory_space<vmem>>, vector<16xf32>,
      %get3A_406 = vector.shape_cast %get3A_405 : vector<16xf32> to vector<16xf32>
      %mul3A_407 = arith.mulf %get3A_406, %get3A_406 : vector<16xf32>
      %max3A_408 = arith.maximumf %max3A_364, %mul3A_407 : vector<16xf32>
      %mul3A_409 = arith.constant 8 : i32
      %mul3A_410 = arith.muli %scan3A_339, %mul3A_409 : i32
      %add3A_411 = arith.constant 6 : i32
      %add3A_412 = arith.addi %mul3A_410, %add3A_411 : i32
      %mul3A_413 = arith.constant 16 : i32
      %mul3A_414 = arith.muli %add3A_412, %mul3A_413 : i32
      %get3A_415 = arith.index_cast %mul3A_414 : i32 to index
      %get3A_416 = tpu.vector_load %arg4[%get3A_415] {strides = array<i32>} : memref<32768xf32, #tpu.memory_space<vmem>>, vector<16xf32>,
      %get3A_417 = vector.shape_cast %get3A_416 : vector<16xf32> to vector<16xf32>
      %mul3A_418 = arith.mulf %get3A_417, %get3A_417 : vector<16xf32>
      %max3A_419 = arith.maximumf %max3A_375, %mul3A_418 : vector<16xf32>
      %mul3A_420 = arith.constant 8 : i32
      %mul3A_421 = arith.muli %scan3A_339, %mul3A_420 : i32
      %add3A_422 = arith.constant 7 : i32
      %add3A_423 = arith.addi %mul3A_421, %add3A_422 : i32
      %mul3A_424 = arith.constant 16 : i32
      %mul3A_425 = arith.muli %add3A_423, %mul3A_424 : i32
      %get3A_426 = arith.index_cast %mul3A_425 : i32 to index
      %get3A_427 = tpu.vector_load %arg4[%get3A_426] {strides = array<i32>} : memref<32768xf32, #tpu.memory_space<vmem>>, vector<16xf32>,
      %get3A_428 = vector.shape_cast %get3A_427 : vector<16xf32> to vector<16xf32>
      %mul3A_429 = arith.mulf %get3A_428, %get3A_428 : vector<16xf32>
      %max3A_430 = arith.maximumf %max3A_386, %mul3A_429 : vector<16xf32>
      scf.yield %max3A_397, %max3A_408, %max3A_419, %max3A_430 : vector<16xf32>, vector<16xf32>, vector<16xf32>, vector<16xf32>
    }
    %scan3A_197 = arith.constant 256 : i32
    %max3A_198 = arith.maximumf %scan3A_196#0, %scan3A_196#1 : vector<16xf32>
    %max3A_199 = arith.maximumf %scan3A_196#2, %scan3A_196#3 : vector<16xf32>
    %max3A_200 = arith.maximumf %max3A_198, %max3A_199 : vector<16xf32>
    %slice3A_201 = vector.extract_strided_slice %max3A_200 {offsets = [0], sizes = [1], strides = [1]} : vector<16xf32> to vector<1xf32>
    %squeeze3A_202 = vector.extract %slice3A_201[0] : f32 from vector<1xf32>
    %slice3A_203 = vector.extract_strided_slice %max3A_200 {offsets = [1], sizes = [1], strides = [1]} : vector<16xf32> to vector<1xf32>
    %squeeze3A_204 = vector.extract %slice3A_203[0] : f32 from vector<1xf32>
    %slice3A_205 = vector.extract_strided_slice %max3A_200 {offsets = [2], sizes = [1], strides = [1]} : vector<16xf32> to vector<1xf32>
    %squeeze3A_206 = vector.extract %slice3A_205[0] : f32 from vector<1xf32>
    %slice3A_207 = vector.extract_strided_slice %max3A_200 {offsets = [3], sizes = [1], strides = [1]} : vector<16xf32> to vector<1xf32>
    %squeeze3A_208 = vector.extract %slice3A_207[0] : f32 from vector<1xf32>
    %slice3A_209 = vector.extract_strided_slice %max3A_200 {offsets = [4], sizes = [1], strides = [1]} : vector<16xf32> to vector<1xf32>
    %squeeze3A_210 = vector.extract %slice3A_209[0] : f32 from vector<1xf32>
    %slice3A_211 = vector.extract_strided_slice %max3A_200 {offsets = [5], sizes = [1], strides = [1]} : vector<16xf32> to vector<1xf32>
    %squeeze3A_212 = vector.extract %slice3A_211[0] : f32 from vector<1xf32>
    %slice3A_213 = vector.extract_strided_slice %max3A_200 {offsets = [6], sizes = [1], strides = [1]} : vector<16xf32> to vector<1xf32>
    %squeeze3A_214 = vector.extract %slice3A_213[0] : f32 from vector<1xf32>
    %slice3A_215 = vector.extract_strided_slice %max3A_200 {offsets = [7], sizes = [1], strides = [1]} : vector<16xf32> to vector<1xf32>
    %squeeze3A_216 = vector.extract %slice3A_215[0] : f32 from vector<1xf32>
    %slice3A_217 = vector.extract_strided_slice %max3A_200 {offsets = [8], sizes = [1], strides = [1]} : vector<16xf32> to vector<1xf32>
    %squeeze3A_218 = vector.extract %slice3A_217[0] : f32 from vector<1xf32>
    %slice3A_219 = vector.extract_strided_slice %max3A_200 {offsets = [9], sizes = [1], strides = [1]} : vector<16xf32> to vector<1xf32>
    %squeeze3A_220 = vector.extract %slice3A_219[0] : f32 from vector<1xf32>
    %slice3A_221 = vector.extract_strided_slice %max3A_200 {offsets = [10], sizes = [1], strides = [1]} : vector<16xf32> to vector<1xf32>
    %squeeze3A_222 = vector.extract %slice3A_221[0] : f32 from vector<1xf32>
    %slice3A_223 = vector.extract_strided_slice %max3A_200 {offsets = [11], sizes = [1], strides = [1]} : vector<16xf32> to vector<1xf32>
    %squeeze3A_224 = vector.extract %slice3A_223[0] : f32 from vector<1xf32>
    %slice3A_225 = vector.extract_strided_slice %max3A_200 {offsets = [12], sizes = [1], strides = [1]} : vector<16xf32> to vector<1xf32>
    %squeeze3A_226 = vector.extract %slice3A_225[0] : f32 from vector<1xf32>
    %slice3A_227 = vector.extract_strided_slice %max3A_200 {offsets = [13], sizes = [1], strides = [1]} : vector<16xf32> to vector<1xf32>
    %squeeze3A_228 = vector.extract %slice3A_227[0] : f32 from vector<1xf32>
    %slice3A_229 = vector.extract_strided_slice %max3A_200 {offsets = [14], sizes = [1], strides = [1]} : vector<16xf32> to vector<1xf32>
    %squeeze3A_230 = vector.extract %slice3A_229[0] : f32 from vector<1xf32>
    %slice3A_231 = vector.extract_strided_slice %max3A_200 {offsets = [15], sizes = [1], strides = [1]} : vector<16xf32> to vector<1xf32>
    %squeeze3A_232 = vector.extract %slice3A_231[0] : f32 from vector<1xf32>
    %max3A_233 = arith.maximumf %squeeze3A_202, %squeeze3A_204 : f32
    %max3A_234 = arith.maximumf %squeeze3A_206, %squeeze3A_208 : f32
    %max3A_235 = arith.maximumf %squeeze3A_210, %squeeze3A_212 : f32
    %max3A_236 = arith.maximumf %squeeze3A_214, %squeeze3A_216 : f32
    %max3A_237 = arith.maximumf %squeeze3A_218, %squeeze3A_220 : f32
    %max3A_238 = arith.maximumf %squeeze3A_222, %squeeze3A_224 : f32
    %max3A_239 = arith.maximumf %squeeze3A_226, %squeeze3A_228 : f32
    %max3A_240 = arith.maximumf %squeeze3A_230, %squeeze3A_232 : f32
    %max3A_241 = arith.maximumf %max3A_233, %max3A_234 : f32
    %max3A_242 = arith.maximumf %max3A_235, %max3A_236 : f32
    %max3A_243 = arith.maximumf %max3A_237, %max3A_238 : f32
    %max3A_244 = arith.maximumf %max3A_239, %max3A_240 : f32
    %max3A_245 = arith.maximumf %max3A_241, %max3A_242 : f32
    %max3A_246 = arith.maximumf %max3A_243, %max3A_244 : f32
    %max3A_247 = arith.maximumf %max3A_245, %max3A_246 : f32
    %eq3A_248 = arith.constant 2 : i32
    %eq3A_249 = vector.broadcast %eq3A_248 : i32 to vector<16xi32>
    %eq3A_250 = arith.cmpi eq, %iota3A, %eq3A_249 : vector<16xi32>
    %broadcast_in_dim3A_251 = vector.broadcast %max3A_247 : f32 to vector<16xf32>
    %select_n3A_252 = arith.select %eq3A_250, %broadcast_in_dim3A_251, %select_n3A_169 : vector<16xi1>, vector<16xf32>
    %broadcast_in_dim3A_253 = arith.constant 0.000000e+00 : f32
    %broadcast_in_dim3A_254 = vector.broadcast %broadcast_in_dim3A_253 : f32 to vector<16xf32>
    %broadcast_in_dim3A_255 = arith.constant 0.000000e+00 : f32
    %broadcast_in_dim3A_256 = vector.broadcast %broadcast_in_dim3A_255 : f32 to vector<16xf32>
    %broadcast_in_dim3A_257 = arith.constant 0.000000e+00 : f32
    %broadcast_in_dim3A_258 = vector.broadcast %broadcast_in_dim3A_257 : f32 to vector<16xf32>
    %broadcast_in_dim3A_259 = arith.constant 0.000000e+00 : f32
    %broadcast_in_dim3A_260 = vector.broadcast %broadcast_in_dim3A_259 : f32 to vector<16xf32>
    %dma_wait3A_261 = arith.constant 0 : i32
    %dma_wait3A_262 = tpu.memref_slice %arg2[%add3A_179, %dma_wait3A_261] : memref<128x32768xf32, #tpu.memory_space<hbm>> -> memref<1x32768xf32, #tpu.memory_space<hbm>>
    %dma_wait3A_263 = tpu.memref_squeeze %dma_wait3A_262 : memref<1x32768xf32, #tpu.memory_space<hbm>> -> memref<32768xf32, #tpu.memory_space<hbm>>
    %dma_wait3A_264 = arith.constant 0 : i32
    %dma_wait3A_265 = tpu.memref_slice %arg2[%add3A_179, %dma_wait3A_264] : memref<128x32768xf32, #tpu.memory_space<hbm>> -> memref<1x32768xf32, #tpu.memory_space<hbm>>
    %dma_wait3A_266 = tpu.memref_squeeze %dma_wait3A_265 : memref<1x32768xf32, #tpu.memory_space<hbm>> -> memref<32768xf32, #tpu.memory_space<hbm>>
    tpu.wait_dma2 semaphore(%arg8 : memref<!tpu.dma_semaphore, #tpu.memory_space<semaphore_mem>>) src(%dma_wait3A_266 : memref<32768xf32, #tpu.memory_space<hbm>>) dst(%arg5 : memref<32768xf32, #tpu.memory_space<vmem>>)
    %scan3A_267 = arith.constant 0 : i32
    %scan3A_268 = arith.constant 256 : i32
    %scan3A_269 = arith.addi %scan3A_267, %scan3A_268 : i32
    %scan3A_270 = arith.constant 1 : i32
    %scan3A_271:4 = scf.for %scan3A_339 = %scan3A_267 to %scan3A_269 step %scan3A_270 iter_args(%scan3A_340 = %broadcast_in_dim3A_254, %scan3A_341 = %broadcast_in_dim3A_256, %scan3A_342 = %broadcast_in_dim3A_258, %scan3A_343 = %broadcast_in_dim3A_260) -> (vector<16xf32>, vector<16xf32>, vector<16xf32>, vector<16xf32>)  : i32 {
      %mul3A_344 = arith.constant 8 : i32
      %mul3A_345 = arith.muli %scan3A_339, %mul3A_344 : i32
      %add3A_346 = arith.constant 0 : i32
      %add3A_347 = arith.addi %mul3A_345, %add3A_346 : i32
      %mul3A_348 = arith.constant 16 : i32
      %mul3A_349 = arith.muli %add3A_347, %mul3A_348 : i32
      %get3A = arith.index_cast %mul3A_349 : i32 to index
      %get3A_350 = tpu.vector_load %arg5[%get3A] {strides = array<i32>} : memref<32768xf32, #tpu.memory_space<vmem>>, vector<16xf32>,
      %get3A_351 = vector.shape_cast %get3A_350 : vector<16xf32> to vector<16xf32>
      %mul3A_352 = arith.mulf %get3A_351, %get3A_351 : vector<16xf32>
      %max3A_353 = arith.maximumf %scan3A_340, %mul3A_352 : vector<16xf32>
      %mul3A_354 = arith.constant 8 : i32
      %mul3A_355 = arith.muli %scan3A_339, %mul3A_354 : i32
      %add3A_356 = arith.constant 1 : i32
      %add3A_357 = arith.addi %mul3A_355, %add3A_356 : i32
      %mul3A_358 = arith.constant 16 : i32
      %mul3A_359 = arith.muli %add3A_357, %mul3A_358 : i32
      %get3A_360 = arith.index_cast %mul3A_359 : i32 to index
      %get3A_361 = tpu.vector_load %arg5[%get3A_360] {strides = array<i32>} : memref<32768xf32, #tpu.memory_space<vmem>>, vector<16xf32>,
      %get3A_362 = vector.shape_cast %get3A_361 : vector<16xf32> to vector<16xf32>
      %mul3A_363 = arith.mulf %get3A_362, %get3A_362 : vector<16xf32>
      %max3A_364 = arith.maximumf %scan3A_341, %mul3A_363 : vector<16xf32>
      %mul3A_365 = arith.constant 8 : i32
      %mul3A_366 = arith.muli %scan3A_339, %mul3A_365 : i32
      %add3A_367 = arith.constant 2 : i32
      %add3A_368 = arith.addi %mul3A_366, %add3A_367 : i32
      %mul3A_369 = arith.constant 16 : i32
      %mul3A_370 = arith.muli %add3A_368, %mul3A_369 : i32
      %get3A_371 = arith.index_cast %mul3A_370 : i32 to index
      %get3A_372 = tpu.vector_load %arg5[%get3A_371] {strides = array<i32>} : memref<32768xf32, #tpu.memory_space<vmem>>, vector<16xf32>,
      %get3A_373 = vector.shape_cast %get3A_372 : vector<16xf32> to vector<16xf32>
      %mul3A_374 = arith.mulf %get3A_373, %get3A_373 : vector<16xf32>
      %max3A_375 = arith.maximumf %scan3A_342, %mul3A_374 : vector<16xf32>
      %mul3A_376 = arith.constant 8 : i32
      %mul3A_377 = arith.muli %scan3A_339, %mul3A_376 : i32
      %add3A_378 = arith.constant 3 : i32
      %add3A_379 = arith.addi %mul3A_377, %add3A_378 : i32
      %mul3A_380 = arith.constant 16 : i32
      %mul3A_381 = arith.muli %add3A_379, %mul3A_380 : i32
      %get3A_382 = arith.index_cast %mul3A_381 : i32 to index
      %get3A_383 = tpu.vector_load %arg5[%get3A_382] {strides = array<i32>} : memref<32768xf32, #tpu.memory_space<vmem>>, vector<16xf32>,
      %get3A_384 = vector.shape_cast %get3A_383 : vector<16xf32> to vector<16xf32>
      %mul3A_385 = arith.mulf %get3A_384, %get3A_384 : vector<16xf32>
      %max3A_386 = arith.maximumf %scan3A_343, %mul3A_385 : vector<16xf32>
      %mul3A_387 = arith.constant 8 : i32
      %mul3A_388 = arith.muli %scan3A_339, %mul3A_387 : i32
      %add3A_389 = arith.constant 4 : i32
      %add3A_390 = arith.addi %mul3A_388, %add3A_389 : i32
      %mul3A_391 = arith.constant 16 : i32
      %mul3A_392 = arith.muli %add3A_390, %mul3A_391 : i32
      %get3A_393 = arith.index_cast %mul3A_392 : i32 to index
      %get3A_394 = tpu.vector_load %arg5[%get3A_393] {strides = array<i32>} : memref<32768xf32, #tpu.memory_space<vmem>>, vector<16xf32>,
      %get3A_395 = vector.shape_cast %get3A_394 : vector<16xf32> to vector<16xf32>
      %mul3A_396 = arith.mulf %get3A_395, %get3A_395 : vector<16xf32>
      %max3A_397 = arith.maximumf %max3A_353, %mul3A_396 : vector<16xf32>
      %mul3A_398 = arith.constant 8 : i32
      %mul3A_399 = arith.muli %scan3A_339, %mul3A_398 : i32
      %add3A_400 = arith.constant 5 : i32
      %add3A_401 = arith.addi %mul3A_399, %add3A_400 : i32
      %mul3A_402 = arith.constant 16 : i32
      %mul3A_403 = arith.muli %add3A_401, %mul3A_402 : i32
      %get3A_404 = arith.index_cast %mul3A_403 : i32 to index
      %get3A_405 = tpu.vector_load %arg5[%get3A_404] {strides = array<i32>} : memref<32768xf32, #tpu.memory_space<vmem>>, vector<16xf32>,
      %get3A_406 = vector.shape_cast %get3A_405 : vector<16xf32> to vector<16xf32>
      %mul3A_407 = arith.mulf %get3A_406, %get3A_406 : vector<16xf32>
      %max3A_408 = arith.maximumf %max3A_364, %mul3A_407 : vector<16xf32>
      %mul3A_409 = arith.constant 8 : i32
      %mul3A_410 = arith.muli %scan3A_339, %mul3A_409 : i32
      %add3A_411 = arith.constant 6 : i32
      %add3A_412 = arith.addi %mul3A_410, %add3A_411 : i32
      %mul3A_413 = arith.constant 16 : i32
      %mul3A_414 = arith.muli %add3A_412, %mul3A_413 : i32
      %get3A_415 = arith.index_cast %mul3A_414 : i32 to index
      %get3A_416 = tpu.vector_load %arg5[%get3A_415] {strides = array<i32>} : memref<32768xf32, #tpu.memory_space<vmem>>, vector<16xf32>,
      %get3A_417 = vector.shape_cast %get3A_416 : vector<16xf32> to vector<16xf32>
      %mul3A_418 = arith.mulf %get3A_417, %get3A_417 : vector<16xf32>
      %max3A_419 = arith.maximumf %max3A_375, %mul3A_418 : vector<16xf32>
      %mul3A_420 = arith.constant 8 : i32
      %mul3A_421 = arith.muli %scan3A_339, %mul3A_420 : i32
      %add3A_422 = arith.constant 7 : i32
      %add3A_423 = arith.addi %mul3A_421, %add3A_422 : i32
      %mul3A_424 = arith.constant 16 : i32
      %mul3A_425 = arith.muli %add3A_423, %mul3A_424 : i32
      %get3A_426 = arith.index_cast %mul3A_425 : i32 to index
      %get3A_427 = tpu.vector_load %arg5[%get3A_426] {strides = array<i32>} : memref<32768xf32, #tpu.memory_space<vmem>>, vector<16xf32>,
      %get3A_428 = vector.shape_cast %get3A_427 : vector<16xf32> to vector<16xf32>
      %mul3A_429 = arith.mulf %get3A_428, %get3A_428 : vector<16xf32>
      %max3A_430 = arith.maximumf %max3A_386, %mul3A_429 : vector<16xf32>
      scf.yield %max3A_397, %max3A_408, %max3A_419, %max3A_430 : vector<16xf32>, vector<16xf32>, vector<16xf32>, vector<16xf32>
    }
    %scan3A_272 = arith.constant 256 : i32
    %max3A_273 = arith.maximumf %scan3A_271#0, %scan3A_271#1 : vector<16xf32>
    %max3A_274 = arith.maximumf %scan3A_271#2, %scan3A_271#3 : vector<16xf32>
    %max3A_275 = arith.maximumf %max3A_273, %max3A_274 : vector<16xf32>
    %slice3A_276 = vector.extract_strided_slice %max3A_275 {offsets = [0], sizes = [1], strides = [1]} : vector<16xf32> to vector<1xf32>
    %squeeze3A_277 = vector.extract %slice3A_276[0] : f32 from vector<1xf32>
    %slice3A_278 = vector.extract_strided_slice %max3A_275 {offsets = [1], sizes = [1], strides = [1]} : vector<16xf32> to vector<1xf32>
    %squeeze3A_279 = vector.extract %slice3A_278[0] : f32 from vector<1xf32>
    %slice3A_280 = vector.extract_strided_slice %max3A_275 {offsets = [2], sizes = [1], strides = [1]} : vector<16xf32> to vector<1xf32>
    %squeeze3A_281 = vector.extract %slice3A_280[0] : f32 from vector<1xf32>
    %slice3A_282 = vector.extract_strided_slice %max3A_275 {offsets = [3], sizes = [1], strides = [1]} : vector<16xf32> to vector<1xf32>
    %squeeze3A_283 = vector.extract %slice3A_282[0] : f32 from vector<1xf32>
    %slice3A_284 = vector.extract_strided_slice %max3A_275 {offsets = [4], sizes = [1], strides = [1]} : vector<16xf32> to vector<1xf32>
    %squeeze3A_285 = vector.extract %slice3A_284[0] : f32 from vector<1xf32>
    %slice3A_286 = vector.extract_strided_slice %max3A_275 {offsets = [5], sizes = [1], strides = [1]} : vector<16xf32> to vector<1xf32>
    %squeeze3A_287 = vector.extract %slice3A_286[0] : f32 from vector<1xf32>
    %slice3A_288 = vector.extract_strided_slice %max3A_275 {offsets = [6], sizes = [1], strides = [1]} : vector<16xf32> to vector<1xf32>
    %squeeze3A_289 = vector.extract %slice3A_288[0] : f32 from vector<1xf32>
    %slice3A_290 = vector.extract_strided_slice %max3A_275 {offsets = [7], sizes = [1], strides = [1]} : vector<16xf32> to vector<1xf32>
    %squeeze3A_291 = vector.extract %slice3A_290[0] : f32 from vector<1xf32>
    %slice3A_292 = vector.extract_strided_slice %max3A_275 {offsets = [8], sizes = [1], strides = [1]} : vector<16xf32> to vector<1xf32>
    %squeeze3A_293 = vector.extract %slice3A_292[0] : f32 from vector<1xf32>
    %slice3A_294 = vector.extract_strided_slice %max3A_275 {offsets = [9], sizes = [1], strides = [1]} : vector<16xf32> to vector<1xf32>
    %squeeze3A_295 = vector.extract %slice3A_294[0] : f32 from vector<1xf32>
    %slice3A_296 = vector.extract_strided_slice %max3A_275 {offsets = [10], sizes = [1], strides = [1]} : vector<16xf32> to vector<1xf32>
    %squeeze3A_297 = vector.extract %slice3A_296[0] : f32 from vector<1xf32>
    %slice3A_298 = vector.extract_strided_slice %max3A_275 {offsets = [11], sizes = [1], strides = [1]} : vector<16xf32> to vector<1xf32>
    %squeeze3A_299 = vector.extract %slice3A_298[0] : f32 from vector<1xf32>
    %slice3A_300 = vector.extract_strided_slice %max3A_275 {offsets = [12], sizes = [1], strides = [1]} : vector<16xf32> to vector<1xf32>
    %squeeze3A_301 = vector.extract %slice3A_300[0] : f32 from vector<1xf32>
    %slice3A_302 = vector.extract_strided_slice %max3A_275 {offsets = [13], sizes = [1], strides = [1]} : vector<16xf32> to vector<1xf32>
    %squeeze3A_303 = vector.extract %slice3A_302[0] : f32 from vector<1xf32>
    %slice3A_304 = vector.extract_strided_slice %max3A_275 {offsets = [14], sizes = [1], strides = [1]} : vector<16xf32> to vector<1xf32>
    %squeeze3A_305 = vector.extract %slice3A_304[0] : f32 from vector<1xf32>
    %slice3A_306 = vector.extract_strided_slice %max3A_275 {offsets = [15], sizes = [1], strides = [1]} : vector<16xf32> to vector<1xf32>
    %squeeze3A_307 = vector.extract %slice3A_306[0] : f32 from vector<1xf32>
    %max3A_308 = arith.maximumf %squeeze3A_277, %squeeze3A_279 : f32
    %max3A_309 = arith.maximumf %squeeze3A_281, %squeeze3A_283 : f32
    %max3A_310 = arith.maximumf %squeeze3A_285, %squeeze3A_287 : f32
    %max3A_311 = arith.maximumf %squeeze3A_289, %squeeze3A_291 : f32
    %max3A_312 = arith.maximumf %squeeze3A_293, %squeeze3A_295 : f32
    %max3A_313 = arith.maximumf %squeeze3A_297, %squeeze3A_299 : f32
    %max3A_314 = arith.maximumf %squeeze3A_301, %squeeze3A_303 : f32
    %max3A_315 = arith.maximumf %squeeze3A_305, %squeeze3A_307 : f32
    %max3A_316 = arith.maximumf %max3A_308, %max3A_309 : f32
    %max3A_317 = arith.maximumf %max3A_310, %max3A_311 : f32
    %max3A_318 = arith.maximumf %max3A_312, %max3A_313 : f32
    %max3A_319 = arith.maximumf %max3A_314, %max3A_315 : f32
    %max3A_320 = arith.maximumf %max3A_316, %max3A_317 : f32
    %max3A_321 = arith.maximumf %max3A_318, %max3A_319 : f32
    %max3A_322 = arith.maximumf %max3A_320, %max3A_321 : f32
    %eq3A_323 = arith.constant 3 : i32
    %eq3A_324 = vector.broadcast %eq3A_323 : i32 to vector<16xi32>
    %eq3A_325 = arith.cmpi eq, %iota3A, %eq3A_324 : vector<16xi32>
    %broadcast_in_dim3A_326 = vector.broadcast %max3A_322 : f32 to vector<16xf32>
    %select_n3A_327 = arith.select %eq3A_325, %broadcast_in_dim3A_326, %select_n3A_252 : vector<16xi1>, vector<16xf32>
    %broadcast_in_dim3A_328 = arith.constant 0.000000e+00 : f32
    %broadcast_in_dim3A_329 = vector.broadcast %broadcast_in_dim3A_328 : f32 to vector<16xf32>
    %broadcast_in_dim3A_330 = arith.constant 0.000000e+00 : f32
    %broadcast_in_dim3A_331 = vector.broadcast %broadcast_in_dim3A_330 : f32 to vector<16xf32>
    %broadcast_in_dim3A_332 = arith.constant 0.000000e+00 : f32
    %broadcast_in_dim3A_333 = vector.broadcast %broadcast_in_dim3A_332 : f32 to vector<16xf32>
    %broadcast_in_dim3A_334 = arith.constant 0.000000e+00 : f32
    %broadcast_in_dim3A_335 = vector.broadcast %broadcast_in_dim3A_334 : f32 to vector<16xf32>
    %swap3A = arith.constant 0 : index
    %swap3A_336 = tpu.vector_load %arg6[%swap3A] {strides = array<i32>} : memref<16xf32, #tpu.memory_space<vmem>>, vector<16xf32>,
    %swap3A_337 = vector.shape_cast %swap3A_336 : vector<16xf32> to vector<16xf32>
    %swap3A_338 = vector.shape_cast %select_n3A_327 : vector<16xf32> to vector<16xf32>
    tpu.vector_store %arg6[%swap3A], %swap3A_338 {strides = array<i32>} : memref<16xf32, #tpu.memory_space<vmem>>, vector<16xf32>,
    "tpu.region"() ({
      %run_scoped3A = tpu.sem_alloc : memref<!tpu.dma_semaphore, #tpu.memory_space<semaphore_mem>>
      %dma_start3A_339 = arith.constant 0 : i32
      %dma_start3A_340 = tpu.memref_slice %arg3[%add3A, %dma_start3A_339] : memref<32x16xf32, #tpu.memory_space<hbm>> -> memref<1x16xf32, #tpu.memory_space<hbm>>
      %dma_start3A_341 = tpu.memref_squeeze %dma_start3A_340 : memref<1x16xf32, #tpu.memory_space<hbm>> -> memref<16xf32, #tpu.memory_space<hbm>>
      %dma_start3A_342 = arith.constant 0 : i32
      %dma_start3A_343 = tpu.memref_slice %arg3[%add3A, %dma_start3A_342] : memref<32x16xf32, #tpu.memory_space<hbm>> -> memref<1x16xf32, #tpu.memory_space<hbm>>
      %dma_start3A_344 = tpu.memref_squeeze %dma_start3A_343 : memref<1x16xf32, #tpu.memory_space<hbm>> -> memref<16xf32, #tpu.memory_space<hbm>>
      tpu.enqueue_dma source(%arg6 : memref<16xf32, #tpu.memory_space<vmem>>) target(%dma_start3A_344 : memref<16xf32, #tpu.memory_space<hbm>>) target_semaphore(%run_scoped3A : memref<!tpu.dma_semaphore, #tpu.memory_space<semaphore_mem>>)
      %dma_wait3A_345 = arith.constant 0 : i32
      %dma_wait3A_346 = tpu.memref_slice %arg3[%add3A, %dma_wait3A_345] : memref<32x16xf32, #tpu.memory_space<hbm>> -> memref<1x16xf32, #tpu.memory_space<hbm>>
      %dma_wait3A_347 = tpu.memref_squeeze %dma_wait3A_346 : memref<1x16xf32, #tpu.memory_space<hbm>> -> memref<16xf32, #tpu.memory_space<hbm>>
      %dma_wait3A_348 = arith.constant 0 : i32
      %dma_wait3A_349 = tpu.memref_slice %arg3[%add3A, %dma_wait3A_348] : memref<32x16xf32, #tpu.memory_space<hbm>> -> memref<1x16xf32, #tpu.memory_space<hbm>>
      %dma_wait3A_350 = tpu.memref_squeeze %dma_wait3A_349 : memref<1x16xf32, #tpu.memory_space<hbm>> -> memref<16xf32, #tpu.memory_space<hbm>>
      tpu.wait_dma2 semaphore(%run_scoped3A : memref<!tpu.dma_semaphore, #tpu.memory_space<semaphore_mem>>) src(%arg6 : memref<16xf32, #tpu.memory_space<vmem>>) dst(%dma_wait3A_350 : memref<16xf32, #tpu.memory_space<hbm>>)
      tpu.yield
    }) : () -> ()
    return
  }
}

</mosaic_0001>

<sc_bundles>
// kernel: kernel.3.cloned.1.call-start
scs
__scs_entry_jumppad:
0x0: {  	(pc) =	sbr.rel $0x88, $3  }
0x1: {  	(tag) =	ssettag $0x0;
	lr =	simm.s32 $0x1  }
0x2: {  	[smem:$0x3FA0] =	sst lr;
	_ =	strace $0xD0000000  }
0x3: {  	_ = 	snop  }
0x4: {  	_ = 	snop  }
0x5: {  	_ = 	snop  }
0x6: {  	_ = 	snop  }
0x7: {  	_ = 	snop  }
__scs_overlays_trampoline_lowered:
0x8: {  	[smem:$0x3FAF] =	sst s0  }
0x9: {  	[smem:$0x3FB0] =	sst s1  }
0xa: {  	[smem:$0x3FB1] =	sst s2  }
0xb: {  	[smem:$0x3FB2] =	sst s3  }
0xc: {  	[smem:$0x3FB3] =	sst s4  }
0xd: {  	[smem:$0x3FB4] =	sst s5  }
0xe: {  	[smem:$0x3FB5] =	sst s6  }
0xf: {  	[smem:$0x3FB6] =	sst s7  }
0x10: {  	[smem:$0x3FB7] =	sst s8  }
0x11: {  	[smem:$0x3FB8] =	sst s9;
	s0 =	simm.s32 @!p0 $0x0  }
0x12: {  	s1 =	sld [smem:$0x3F9E];
	s0 =	simm.s32 @p0 $0x1  }
0x13: {  	[smem:$0x3FB9] =	sst s0;
	s0 =	simm.s32 @!p1 $0x0  }
0x14: {  	s2 =	sld [smem:$0x3F9D];
	s0 =	simm.s32 @p1 $0x1  }
0x15: {  	[smem:$0x3FBA] =	sst s0;
	s0 =	simm.s32 @!p2 $0x0  }
0x16: {  	s3 =	sld [smem:$0x3FDB];
	s0 =	simm.s32 @p2 $0x1  }
0x17: {  	s4 =	simm.s32 $0x1BF5;
	[smem:$0x3FBC] =	sst s0  }
0x18: {  	s0 =	sld [smem:$0x3F9F];
	_ =	swait.ge [sflag:s4], $0x0  }
0x19: {  	s7 =	sld [smem:$0x3FA0]  }
0x1a: {  	s8 =	sadd.s32 $0xFFFFE003, lr  }
0x1b: {  	s9 =	sadd.s32 $0xFFFFFEF7, lr;
	s5 =	simm.s32 $0xFFFFFFFF;
	p2 =	slt.u32 s8, $0xFFFFF086  }
0x1c: {  	p1 =	slt.u32 s9, $0xF7A;
	s5 =	simm.s32 @!p2 $0x0  }
0x1d: {  	s5 =	simm.s32 @p1 $0x1;
	p0 =	seq.s32 s7, s2  }
0x1e: {  	s7 =	smul.u32 @!p0 $0xF7A, s2;
	p2 =	seq.s32 @!p0 s5, $0x0  }
0x1f: {  	s9 =	smul.u32 $0xF7A, s1;
	s8 =	simm.s32 @!p0 $0x1BF5;
	p2 =	por !p2, p0  }
0x20: {  	[sflag:s8] =	ssyncset.s32 @!p0 $0xFFFFF086;
	s6 =	sadd.s32 @!p0 s3, s7;
	s7 =	simm.s32 @!p0 $0x108  }
0x21: {  	s3 =	sadd.s32 s3, s9;
	s6 =	sadd.s32 @!p0 $0x88, s6;
	s7 =	simm.s32 @p2 $0x1082  }
0x22: {  	[simem:s7], [sflag:s8] =	dma.local @!p0 [hbm:s6], $0xF7A  }
0x23: {  	s9 =	sor.u32 $0xD0000000, s2;
	s6 =	simm.s32 $0x108;
	_ =	swait.ge @!p0 [sflag:s8], $0x0  }
0x24: {  	s3 =	sadd.s32 $0x88, s3;
	s6 =	simm.s32 @!p1 $0x1082;
	[sflag:s4] =	ssyncset.s32 $0xFFFFF086  }
0x25: {  	[simem:s6], [sflag:s4] =	dma.local [hbm:s3], $0xF7A  }
0x26: {  	[smem:$0x3FA0] =	sst s1;
	(tag) =	ssettag s2;
	_ =	strace s9  }
0x27: {  	s1 =	sld [smem:$0x3FB0]  }
0x28: {  	s2 =	sld [smem:$0x3FB1]  }
0x29: {  	s4 =	sld [smem:$0x3FB3]  }
0x2a: {  	p0 =	seq.s32 s5, $0x0;
	s5 =	sld [smem:$0x3FB4]  }
0x2b: {  	s6 =	sld [smem:$0x3FB5]  }
0x2c: {  	s7 =	sld [smem:$0x3FB6]  }
0x2d: {  	s3 =	simm.s32 $0x108;
	s8 =	sld [smem:$0x3FB7]  }
0x2e: {  	s3 =	simm.s32 @!p0 $0x1082;
	s9 =	sld [smem:$0x3FB8]  }
0x2f: {  	lr =	sadd.s32 s0, s3;
	s0 =	sld [smem:$0x3FAF]  }
0x30: {  	s3 =	sld [smem:$0x3FB2]  }
0x31: {  	[smem:$0x3FBB] =	sst s10  }
0x32: {  	s10 =	sld [smem:$0x3FB9];
	_ =	sdelay $0x3  }
0x33: {  	p0 =	seq.s32 s10, $0x1;
	s10 =	sld [smem:$0x3FBB];
	_ =	sdelay $0x3  }
0x34: {  	[smem:$0x3FBB] =	sst s10  }
0x35: {  	s10 =	sld [smem:$0x3FBA];
	_ =	sdelay $0x3  }
0x36: {  	p1 =	seq.s32 s10, $0x1;
	s10 =	sld [smem:$0x3FBB];
	_ =	sdelay $0x3  }
0x37: {  	[smem:$0x3FBB] =	sst s10  }
0x38: {  	s10 =	sld [smem:$0x3FBC]  }
0x39: {  	_ = 	snop;
	(pc) =	sbr.ind lr, $3  }
0x3a: {  	_ = 	snop  }
0x3b: {  	_ = 	snop  }
0x3c: {  	p2 =	seq.s32 s10, $0x1;
	s10 =	sld [smem:$0x3FBB]  }
0x3d: {  	_ =	shalt  }
0x3e: {  	_ =	shalt  }
0x3f: {  	_ =	shalt  }
0x40: {  	_ =	shalt  }
0x41: {  	_ =	shalt  }
0x42: {  	_ =	shalt  }
0x43: {  	_ =	shalt  }
0x44: {  	_ =	shalt  }
0x45: {  	_ =	shalt  }
0x46: {  	_ =	shalt  }
0x47: {  	_ =	shalt  }
0x48: {  	_ =	shalt  }
0x49: {  	_ =	shalt  }
0x4a: {  	_ =	shalt  }
0x4b: {  	_ =	shalt  }
0x4c: {  	_ =	shalt  }
0x4d: {  	_ =	shalt  }
0x4e: {  	_ =	shalt  }
0x4f: {  	_ =	shalt  }
0x50: {  	_ =	shalt  }
0x51: {  	_ =	shalt  }
0x52: {  	_ =	shalt  }
0x53: {  	_ =	shalt  }
0x54: {  	_ =	shalt  }
0x55: {  	_ =	shalt  }
0x56: {  	_ =	shalt  }
0x57: {  	_ =	shalt  }
0x58: {  	_ =	shalt  }
0x59: {  	_ =	shalt  }
0x5a: {  	_ =	shalt  }
0x5b: {  	_ =	shalt  }
0x5c: {  	_ =	shalt  }
0x5d: {  	_ =	shalt  }
0x5e: {  	_ =	shalt  }
0x5f: {  	_ =	shalt  }
0x60: {  	_ =	shalt  }
0x61: {  	_ =	shalt  }
0x62: {  	_ =	shalt  }
0x63: {  	_ =	shalt  }
0x64: {  	_ =	shalt  }
0x65: {  	_ =	shalt  }
0x66: {  	_ =	shalt  }
0x67: {  	_ =	shalt  }
0x68: {  	_ =	shalt  }
0x69: {  	_ =	shalt  }
0x6a: {  	_ =	shalt  }
0x6b: {  	_ =	shalt  }
0x6c: {  	_ =	shalt  }
0x6d: {  	_ =	shalt  }
0x6e: {  	_ =	shalt  }
0x6f: {  	_ =	shalt  }
0x70: {  	_ =	shalt  }
0x71: {  	_ =	shalt  }
0x72: {  	_ =	shalt  }
0x73: {  	_ =	shalt  }
0x74: {  	_ =	shalt  }
0x75: {  	_ =	shalt  }
0x76: {  	_ =	shalt  }
0x77: {  	_ =	shalt  }
0x78: {  	_ =	shalt  }
0x79: {  	_ =	shalt  }
0x7a: {  	_ =	shalt  }
0x7b: {  	_ =	shalt  }
0x7c: {  	_ =	shalt  }
0x7d: {  	_ =	shalt  }
0x7e: {  	_ =	shalt  }
0x7f: {  	_ =	shalt  }
0x80: {  	_ =	shalt  }
0x81: {  	_ =	shalt  }
0x82: {  	_ =	shalt  }
0x83: {  	_ =	shalt  }
0x84: {  	_ =	shalt  }
0x85: {  	_ =	shalt  }
0x86: {  	_ =	shalt  }
0x87: {  	_ =	shalt  }
.Lfunc_end0:
.L_simem_size_0:
called_computation_lowered:
.L_overlay_start_0:
0x88: {  	s2 =	sld [smem:$0x3FD9]  }
0x89: {  	s3 =	sld [smem:$0x3FFE];
	_ =	sdelay $0x1  }
0x8a: {  	s1 =	srdreg.scid  }
0x8b: {  	s0 =	sand.u32 $0x1, s1  }
0x8c: {  	s17 =	sshll.u32 s0, $0xA;
	s2 =	sadd.s32 s3, s2  }
0x8d: {  	s2 =	sadd.s32 s2, s17  }
0x8e: {  	[smem:$0x3FC7] =	sst s2  }
0x8f: {  	_ = 	snop  }
0x90: {  	s2 =	sld [smem:$0x3FC9];
	(tm) =	ssettm $0x1  }
0x91: {  	s18 =	sld [smem:$0x3FFB];
	_ =	sdelay $0x3  }
0x92: {  	_ =	strace s18  }
0x93: {  	s3 =	sld [smem:$0x3FFC];
	_ =	sdelay $0x3  }
0x94: {  	_ =	strace s3  }
0x95: {  	s3 =	sld [smem:$0x3FFD];
	_ =	sdelay $0x3  }
0x96: {  	_ =	strace s3  }
0x97: {  	_ =	strace $0x8FFFFFFF  }
0x98: {  	s19 =	sld [smem:$0x3FDB];
	_ =	sdelay $0x1  }
0x99: {  	s4 =	simm.s32 $_scs_section_size  }
0x9a: {  	s5 =	simm.s32 $_size__tile_overlayer_lowered;
	s6 =	simm.s32 $_tile_overlayer_lowered  }
0x9b: {  	s22 =	simm.s32 $0x1BFF;
	s21 =	sshll.u32 s6, $0x1;
	s3 =	sadd.s32 s4, s19  }
0x9c: {  	s7 =	simm.s32 $0x0;
	s20 =	sshll.u32 s5, $0x1;
	s5 =	sadd.s32 s21, s3  }
0x9d: {  	[timem:s7], [sflag:s22] =	dma.local [hbm:s5], s20  }
0x9e: {  	_ =	swait.ge [sflag:s22], s20  }
0x9f: {  	s4 =	ssub.s32 $0x0, s20;
	[sflag:s22] =	ssyncset.done $0x0  }
0xa0: {  	[sflag:s22] =	ssyncadd.s32 s4;
	_ =	sdelay $0x1  }
0xa1: {  	s23 =	simm.s32 $0x1B8B  }
0xa2: {  	_ =	swait.ge [sflag:s23], $0x1  }
0xa3: {  	[sflag:s23] =	ssyncset.done $0x0  }
0xa4: {  	s25 =	simm.s32 $0x1B8E;
	s24 =	sld [smem:$0x3FFE];
	[sflag:s23] =	ssyncadd.s32 $0xFFFFFFFF  }
0xa5: {  	s26 =	simm.s32 $execute0_lowered;
	[smem:$0x3FD2] =	sst s25  }
0xa6: {  	s5 =	sshll.u32 s26, $0x1;
	_ =	strace $0x80000046;
	[dreg:$0x1] =	wrdreg $0xFFFFFFFF  }
0xa7: {  	s28 =	simm.s32 $_size_execute0_lowered;
	s3 =	sadd.s32 s3, s5;
	[dreg:$0x0] =	wrdreg $0x0  }
0xa8: {  	s5 =	sshll.u32 s28, $0x1;
	[dreg:$0x2] =	wrdreg s3  }
0xa9: {  	[dreg:$0x3] =	wrdreg s5  }
0xaa: {  	[dreg:$0x4] =	wrdreg $0xC0  }
0xab: {  	_ =	task [dreg:s7], $0x5FFFF  }
0xac: {  	[dreg:$0x1] =	wrdreg $0xFFFFFFFF  }
0xad: {  	[dreg:$0x0] =	wrdreg $0x60  }
0xae: {  	[dreg:$0x2] =	wrdreg s2  }
0xaf: {  	[dreg:$0x3] =	wrdreg s24  }
0xb0: {  	[dreg:$0x4] =	wrdreg $0x9  }
0xb1: {  	_ =	task.clear_ibuf [dreg:s7], $0x5FFFF;
	_ =	strace $0x90000046  }
0xb2: {  	s29 =	simm.s32 $0x9;
	_ =	strace $0x80000048  }
0xb3: {  	_ =	swait.ge [sflag:s29], $0x1  }
0xb4: {  	[sflag:s29] =	ssyncadd.s32 $0xFFFFFFFF  }
0xb5: {  	_ =	strace $0x90000048  }
0xb6: {  	_ =	sfence  }
0xb7: {  	s30 =	sld [smem:$0x0];
	_ =	sdelay $0x2  }
0xb8: {  	s31 =	sshll.u32 s1, $0xD;
	s1 =	sshrl.u32 s1, $0x2  }
0xb9: {  	s3 =	sand.u32 $0x4000, s31;
	s1 =	sadd.s32 s1, s30  }
0xba: {  	s0 =	sor.u32 s3, s0;
	s1 =	sshll.u32 s1, $0x11  }
0xbb: {  	s0 =	sor.u32 s1, s0  }
0xbc: {  	s0 =	sadd.s32 $0x8F2B, s0  }
0xbd: {  	[sflag:s0] =	ssyncadd.remote.s32 $0x1  }
0xbe: {  	_ =	sfence.sel $0xFFFF  }
0xbf: {  	[dreg:$0x0] =	wrdreg $0xFFFFFFFF;
	(pc) =	sbr.abs _section_cstart, $3  }
0xc0: {  	[dreg:$0x1] =	wrdreg $0xFFFFFFFF  }
0xc1: {  	_ =	task.clear_ibuf [dreg:s7], $0x2FFFF;
	_ =	strace $0x9FFFFFFF  }
0xc2: {  	(tm) =	ssettm $0x7FFFFFFF  }
0xc3: {  	_ =	shalt  }
tec
execute0_lowered:
.L_overlay_start_1:
0x0: {  	(tag) =	ssettag $0x1  }
0x1: {  	s3 =	rddreg [dreg:$0x0]  }
0x2: {  	s4 =	rddreg [dreg:$0x1];
	s0 =	simm.s32 $0x0;
	s2 =	srdreg.scid  }
0x3: {  	s1 =	stileid.u32;
	s9 =	simm.s32 $0x80;
	s10 =	simm.s32 $0x400  }
0x4: {  	s12 =	simm.s32 $0x1;
	s13 =	simm.s32 $0x2;
	s15 =	simm.s32 $0x3  }
0x5: {  	s16 =	simm.s32 $0x0;
	[smem:$0x7FF] =	sst s0;
	s5 =	sand.u32 $0x1, s2  }
0x6: {  	s8 =	sshll.u32 s1, $0xF;
	s25 =	sshll.u32 s1, $0x5;
	s7 =	sshll.u32 s5, $0x6  }
0x7: {  	s1 =	simm.s32 $0x8000;
	_ =	strace $0x80000047;
	s23 =	sor.u32 s7, s8  }
0x8: {  	s6 =	sshll.u32 s5, $0x4;
	s22 =	ssub.s32 $0x2, s5;
	s3 =	sadd.s32 s3, s23  }
0x9: {  	s6 =	sadd.s32 s6, s4;
	s24 =	sshrl.u32 s22, $0x1;
	s28 =	sadd.s32 $0x10, s3  }
0xa: {  	s26 =	ssub.s32 s22, s24;
	s30 =	sadd.s32 $0x20, s3;
	[dreg:$0x3] =	wrdreg s28  }
0xb: {  	vm0 =	vcmask $0x300;
	s29 =	sadd.s32 s25, s6;
	s31 =	sadd.s32 $0x30, s3;
	[dreg:$0x4] =	wrdreg s30  }
0xc: {  	vm1 =	vcmask $0x704;
	vm2 =	vcmask $0xB08;
	vm3 =	vcmask $0xF0C;
	s7 =	sadd.s32 $0x400, s29;
	s8 =	smax.u32 s26, $0x1;
	[dreg:$0x5] =	wrdreg s31  }
.LBB2_1:
0xd: {  	[tilespmem:s0], [sflag:$0x1] =	stream.strided.gather [hbm4b:s3+s9], $0x8000, s10, s9, $0x38;
	[tilespmem:$0x10080] =	vst v63  }
0xe: {  	s31 =	rddreg [dreg:$0x3]  }
0xf: {  	[tilespmem:s1], [sflag:$0x2] =	stream.strided.gather [hbm4b:s31+s9], $0x8000, s10, s9, $0x38;
	[tilespmem:$0x10080] =	vst v63  }
0x10: {  	_ =	swait.ge [sflag:s12], $0x8000  }
0x11: {  	[sflag:s12] =	ssyncset.done $0x0  }
0x12: {  	s18 =	simm.s32 $0x0;
	[sflag:s12] =	ssyncadd.s32 $0xFFFF8000  }
0x13: {  	v1 =	vld [tilespmem:s18+$0x40]  }
0x14: {  	v2 =	vld [tilespmem:s18+$0x50]  }
0x15: {  	v5 =	vld [tilespmem:s18+$0x60]  }
0x16: {  	v3 =	vld [tilespmem:s18+$0x0]  }
0x17: {  	v4 =	vld [tilespmem:s18+$0x10]  }
0x18: {  	v8 =	vld [tilespmem:s18+$0x20]  }
0x19: {  	v9 =	vld [tilespmem:s18+$0x30]  }
0x1a: {  	s17 =	simm.s32 $0x80;
	v10 =	vld [tilespmem:s18+$0x70]  }
0x1b: {  	v6 =	vld [tilespmem:s17+$0x40];
	v11 =	vmul.f32 v3, v3  }
0x1c: {  	v0 =	vld [tilespmem:s17+$0x50];
	v12 =	vmul.f32 v1, v1;
	v14 =	vmul.f32 v4, v4  }
0x1d: {  	v1 =	vld [tilespmem:s17+$0x60];
	v7 =	vmul.f32 v2, v2;
	v15 =	vmul.f32 v8, v8  }
0x1e: {  	v13 =	vimm.f32 $0.0e+00;
	v3 =	vld [tilespmem:s17+$0x0];
	v16 =	vmul.f32 v9, v9;
	v9 =	vmul.f32 v5, v5  }
0x1f: {  	v4 =	vld [tilespmem:s17+$0x10];
	v8 =	vmul.f32 v10, v10;
	v2 =	vmax.f32 v13, v11;
	v11 =	vmax.f32 v13, v14  }
0x20: {  	s18 =	simm.s32 $0x400;
	v5 =	vld [tilespmem:s17+$0x20];
	v10 =	vmax.f32 v13, v16;
	v2 =	vmax.f32 v2, v12;
	v12 =	vmax.f32 v13, v15  }
.LBB2_2:
0x21: {  	p0 =	sne.s32 s18, $0x1FE00;
	v13 =	vld [tilespmem:s17+$0x30];
	v11 =	vmax.f32 v11, v7;
	v12 =	vmax.f32 v12, v9;
	v10 =	vmax.f32 v10, v8;
	v7 =	vmovc v0  }
0x22: {  	v8 =	vld [tilespmem:s17+$0x70];
	s17 =	sshra.s32 s18, $0x2;
	v9 =	vmov v1  }
0x23: {  	v14 =	vld [tilespmem:s17+$0x40]  }
.Ltmp0:
0x24: {  	v6 =	vmul.f32 v6, v6;
	v15 =	vmul.f32 v3, v3;
	v0 =	vld [tilespmem:s17+$0x50];
	(pc) =	sbr.rel @p0 .LBB2_2-.Ltmp0, $4  }
0x25: {  	v7 =	vmul.f32 v7, v7;
	v16 =	vmul.f32 v4, v4;
	v1 =	vld [tilespmem:s17+$0x60]  }
0x26: {  	v2 =	vmax.f32 v2, v15;
	v15 =	vmul.f32 v5, v5;
	v3 =	vld [tilespmem:s17+$0x0];
	v13 =	vmul.f32 v13, v13  }
0x27: {  	v9 =	vmul.f32 v9, v9;
	v2 =	vmax.f32 v2, v6;
	v4 =	vld [tilespmem:s17+$0x10];
	v8 =	vmul.f32 v8, v8  }
0x28: {  	s18 =	sadd.s32 $0x200, s18;
	v11 =	vmax.f32 v11, v16;
	v12 =	vmax.f32 v12, v15;
	v5 =	vld [tilespmem:s17+$0x20];
	v10 =	vmax.f32 v10, v13;
	v6 =	vmovc v14  }
0x29: {  	v13 =	vld [tilespmem:s17+$0x30];
	s31 =	simm.s32 $0x0;
	s0 =	rddreg [dreg:$0x4]  }
0x2a: {  	v14 =	vld [tilespmem:s17+$0x70];
	[tilespmem:s31], [sflag:$0x1] =	stream.strided.gather [hbm4b:s0+s9], $0x8000, s10, s9, $0x38  }
0x2b: {  	_ =	swait.ge [sflag:s13], $0x8000  }
0x2c: {  	[sflag:s13] =	ssyncset.done $0x0  }
0x2d: {  	s18 =	simm.s32 $0x0;
	[sflag:s13] =	ssyncadd.s32 $0xFFFF8000  }
0x2e: {  	v15 =	vld [tilespmem:s18+$0x8040]  }
0x2f: {  	v16 =	vld [tilespmem:s18+$0x8050]  }
0x30: {  	v17 =	vld [tilespmem:s18+$0x8060]  }
0x31: {  	v7 =	vmax.f32 v11, v7;
	v9 =	vmax.f32 v12, v9;
	v3 =	vmul.f32 v3, v3;
	v11 =	vld [tilespmem:s18+$0x8000]  }
0x32: {  	v8 =	vmax.f32 v10, v8;
	v6 =	vmul.f32 v6, v6;
	v10 =	vmul.f32 v0, v0;
	v12 =	vld [tilespmem:s18+$0x8010]  }
0x33: {  	v4 =	vmul.f32 v4, v4;
	v0 =	vmax.f32 v2, v3;
	v2 =	vmul.f32 v5, v5;
	v18 =	vld [tilespmem:s18+$0x8020]  }
0x34: {  	v5 =	vmul.f32 v1, v1;
	v3 =	vmul.f32 v13, v13;
	v0 =	vmax.f32 v0, v6;
	v6 =	vld [tilespmem:s18+$0x8030]  }
0x35: {  	s17 =	simm.s32 $0x80;
	v13 =	vmul.f32 v14, v14;
	v1 =	vmax.f32 v7, v4;
	v2 =	vmax.f32 v9, v2;
	v9 =	vld [tilespmem:s18+$0x8070]  }
0x36: {  	v4 =	vld [tilespmem:s17+$0x8050];
	v14 =	vimm.f32 $0.0e+00;
	v1 =	vmax.f32 v1, v10;
	v3 =	vmax.f32 v8, v3  }
0x37: {  	v7 =	vld [tilespmem:s17+$0x8000];
	v3 =	vmax.f32 v3, v13;
	v8 =	vmul.f32 v11, v11;
	v13 =	vmul.f32 v15, v15  }
0x38: {  	v2 =	vmax.f32 v2, v5;
	v5 =	vld [tilespmem:s17+$0x8060];
	v15 =	vmul.f32 v12, v12;
	v11 =	vmul.f32 v16, v16  }
0x39: {  	v10 =	vld [tilespmem:s17+$0x8040];
	v16 =	vmul.f32 v18, v18;
	v18 =	vmul.f32 v6, v6;
	v12 =	vmax.f32 v14, v8  }
0x3a: {  	v8 =	vld [tilespmem:s17+$0x8010];
	v6 =	vmax.f32 v12, v13;
	v13 =	vmul.f32 v17, v17;
	v12 =	vmul.f32 v9, v9  }
0x3b: {  	s18 =	simm.s32 $0x400;
	v15 =	vmax.f32 v14, v15;
	v16 =	vmax.f32 v14, v16;
	v14 =	vmax.f32 v14, v18;
	v9 =	vld [tilespmem:s17+$0x8020]  }
.LBB2_4:
0x3c: {  	p0 =	sne.s32 s18, $0x1FE00;
	v17 =	vld [tilespmem:s17+$0x8030];
	v15 =	vmax.f32 v15, v11;
	v16 =	vmax.f32 v16, v13;
	v14 =	vmax.f32 v14, v12;
	v11 =	vmovc v4  }
0x3d: {  	v12 =	vld [tilespmem:s17+$0x8070];
	s17 =	sshra.s32 s18, $0x2;
	v13 =	vmov v5  }
0x3e: {  	v18 =	vld [tilespmem:s17+$0x8040]  }
.Ltmp1:
0x3f: {  	v10 =	vmul.f32 v10, v10;
	v19 =	vmul.f32 v7, v7;
	v4 =	vld [tilespmem:s17+$0x8050];
	(pc) =	sbr.rel @p0 .LBB2_4-.Ltmp1, $4  }
0x40: {  	v11 =	vmul.f32 v11, v11;
	v20 =	vmul.f32 v8, v8;
	v5 =	vld [tilespmem:s17+$0x8060]  }
0x41: {  	v6 =	vmax.f32 v6, v19;
	v19 =	vmul.f32 v9, v9;
	v7 =	vld [tilespmem:s17+$0x8000];
	v17 =	vmul.f32 v17, v17  }
0x42: {  	v13 =	vmul.f32 v13, v13;
	v6 =	vmax.f32 v6, v10;
	v8 =	vld [tilespmem:s17+$0x8010];
	v12 =	vmul.f32 v12, v12  }
0x43: {  	s18 =	sadd.s32 $0x200, s18;
	v15 =	vmax.f32 v15, v20;
	v16 =	vmax.f32 v16, v19;
	v9 =	vld [tilespmem:s17+$0x8020];
	v14 =	vmax.f32 v14, v17;
	v10 =	vmovc v18  }
0x44: {  	v17 =	vld [tilespmem:s17+$0x8030];
	s0 =	rddreg [dreg:$0x5]  }
0x45: {  	v18 =	vld [tilespmem:s17+$0x8070];
	[tilespmem:s1], [sflag:$0x2] =	stream.strided.gather [hbm4b:s0+s9], $0x8000, s10, s9, $0x38  }
0x46: {  	_ =	swait.ge [sflag:s12], $0x8000  }
0x47: {  	[sflag:s12] =	ssyncset.done $0x0  }
0x48: {  	s18 =	simm.s32 $0x0;
	[sflag:s12] =	ssyncadd.s32 $0xFFFF8000  }
0x49: {  	v19 =	vld [tilespmem:s18+$0x40]  }
0x4a: {  	v20 =	vld [tilespmem:s18+$0x50]  }
0x4b: {  	v21 =	vld [tilespmem:s18+$0x60]  }
0x4c: {  	v11 =	vmax.f32 v15, v11;
	v13 =	vmax.f32 v16, v13;
	v7 =	vmul.f32 v7, v7;
	v15 =	vld [tilespmem:s18+$0x0]  }
0x4d: {  	v12 =	vmax.f32 v14, v12;
	v10 =	vmul.f32 v10, v10;
	v14 =	vmul.f32 v4, v4;
	v16 =	vld [tilespmem:s18+$0x10]  }
0x4e: {  	v8 =	vmul.f32 v8, v8;
	v4 =	vmax.f32 v6, v7;
	v6 =	vmul.f32 v9, v9;
	v22 =	vld [tilespmem:s18+$0x20]  }
0x4f: {  	v9 =	vmul.f32 v5, v5;
	v7 =	vmul.f32 v17, v17;
	v4 =	vmax.f32 v4, v10;
	v10 =	vld [tilespmem:s18+$0x30]  }
0x50: {  	s17 =	simm.s32 $0x80;
	v17 =	vmul.f32 v18, v18;
	v5 =	vmax.f32 v11, v8;
	v6 =	vmax.f32 v13, v6;
	v13 =	vld [tilespmem:s18+$0x70]  }
0x51: {  	v18 =	vimm.f32 $0.0e+00;
	v8 =	vld [tilespmem:s17+$0x60];
	v7 =	vmax.f32 v12, v7;
	v6 =	vmax.f32 v6, v9  }
0x52: {  	v9 =	vld [tilespmem:s17+$0x50];
	v7 =	vmax.f32 v7, v17;
	v12 =	vmul.f32 v15, v15;
	v17 =	vmul.f32 v19, v19  }
0x53: {  	v11 =	vld [tilespmem:s17+$0x0];
	v5 =	vmax.f32 v5, v14;
	v19 =	vmul.f32 v16, v16;
	v15 =	vmul.f32 v20, v20  }
0x54: {  	v14 =	vld [tilespmem:s17+$0x40];
	v20 =	vmul.f32 v22, v22;
	v22 =	vmul.f32 v10, v10;
	v16 =	vmax.f32 v18, v12  }
0x55: {  	v12 =	vld [tilespmem:s17+$0x10];
	v10 =	vmax.f32 v16, v17;
	v17 =	vmul.f32 v21, v21;
	v16 =	vmul.f32 v13, v13  }
0x56: {  	s18 =	simm.s32 $0x400;
	v19 =	vmax.f32 v18, v19;
	v20 =	vmax.f32 v18, v20;
	v18 =	vmax.f32 v18, v22;
	v13 =	vld [tilespmem:s17+$0x20]  }
.LBB2_6:
0x57: {  	p0 =	sne.s32 s18, $0x1FE00;
	v21 =	vld [tilespmem:s17+$0x30];
	v19 =	vmax.f32 v19, v15;
	v20 =	vmax.f32 v20, v17;
	v18 =	vmax.f32 v18, v16;
	v15 =	vmovc v9  }
0x58: {  	v16 =	vld [tilespmem:s17+$0x70];
	s17 =	sshra.s32 s18, $0x2;
	v17 =	vmov v8  }
0x59: {  	v22 =	vld [tilespmem:s17+$0x40]  }
.Ltmp2:
0x5a: {  	v14 =	vmul.f32 v14, v14;
	v23 =	vmul.f32 v11, v11;
	v9 =	vld [tilespmem:s17+$0x50];
	(pc) =	sbr.rel @p0 .LBB2_6-.Ltmp2, $4  }
0x5b: {  	v15 =	vmul.f32 v15, v15;
	v24 =	vmul.f32 v12, v12;
	v8 =	vld [tilespmem:s17+$0x60]  }
0x5c: {  	v10 =	vmax.f32 v10, v23;
	v23 =	vmul.f32 v13, v13;
	v11 =	vld [tilespmem:s17+$0x0];
	v21 =	vmul.f32 v21, v21  }
0x5d: {  	v17 =	vmul.f32 v17, v17;
	v10 =	vmax.f32 v10, v14;
	v12 =	vld [tilespmem:s17+$0x10];
	v16 =	vmul.f32 v16, v16  }
0x5e: {  	s18 =	sadd.s32 $0x200, s18;
	v19 =	vmax.f32 v19, v24;
	v20 =	vmax.f32 v20, v23;
	v13 =	vld [tilespmem:s17+$0x20];
	v18 =	vmax.f32 v18, v21;
	v14 =	vmovc v22  }
0x5f: {  	v21 =	vld [tilespmem:s17+$0x30]  }
0x60: {  	v22 =	vld [tilespmem:s17+$0x70];
	_ =	swait.ge [sflag:s13], $0x8000  }
0x61: {  	[sflag:s13] =	ssyncset.done $0x0  }
0x62: {  	s18 =	simm.s32 $0x0;
	[sflag:s13] =	ssyncadd.s32 $0xFFFF8000  }
0x63: {  	v23 =	vld [tilespmem:s18+$0x8040]  }
0x64: {  	v24 =	vld [tilespmem:s18+$0x8050]  }
0x65: {  	v15 =	vmax.f32 v19, v15;
	v25 =	vld [tilespmem:s18+$0x8060]  }
0x66: {  	v17 =	vmax.f32 v20, v17;
	v14 =	vmul.f32 v14, v14;
	v11 =	vmul.f32 v11, v11;
	v19 =	vld [tilespmem:s18+$0x8000]  }
0x67: {  	v16 =	vmax.f32 v18, v16;
	v9 =	vmul.f32 v9, v9;
	v18 =	vmul.f32 v12, v12;
	v20 =	vld [tilespmem:s18+$0x8010]  }
0x68: {  	v26 =	vld [tilespmem:s18+$0x8020];
	v10 =	vmax.f32 v10, v11;
	v11 =	vmul.f32 v13, v13;
	v13 =	vmul.f32 v21, v21  }
0x69: {  	v8 =	vmul.f32 v8, v8;
	v12 =	vmax.f32 v10, v14;
	v10 =	vld [tilespmem:s18+$0x8030];
	v14 =	vmul.f32 v22, v22  }
0x6a: {  	s17 =	simm.s32 $0x80;
	v15 =	vmax.f32 v15, v18;
	v21 =	vld [tilespmem:s18+$0x8070];
	v11 =	vmax.f32 v17, v11;
	v13 =	vmax.f32 v16, v13  }
0x6b: {  	v16 =	vmax.f32 v15, v9;
	v17 =	vmax.f32 v11, v8;
	v15 =	vld [tilespmem:s17+$0x8040];
	v11 =	vmul.f32 v19, v19  }
0x6c: {  	v9 =	vld [tilespmem:s17+$0x8050];
	v22 =	vmul.f32 v23, v23;
	v27 =	vmul.f32 v20, v20  }
0x6d: {  	v8 =	vld [tilespmem:s17+$0x8060];
	v18 =	vmax.f32 v13, v14;
	v19 =	vmul.f32 v24, v24;
	v26 =	vmul.f32 v26, v26  }
0x6e: {  	v23 =	vimm.f32 $0.0e+00;
	v13 =	vld [tilespmem:s17+$0x8000];
	v20 =	vmul.f32 v25, v25;
	v28 =	vmul.f32 v10, v10  }
0x6f: {  	v14 =	vld [tilespmem:s17+$0x8010];
	v11 =	vmax.f32 v23, v11;
	v21 =	vmul.f32 v21, v21;
	v24 =	vmax.f32 v23, v27  }
0x70: {  	s18 =	simm.s32 $0x400;
	v10 =	vmax.f32 v11, v22;
	v11 =	vld [tilespmem:s17+$0x8020];
	v22 =	vmax.f32 v23, v26;
	v23 =	vmax.f32 v23, v28  }
.LBB2_8:
0x71: {  	p0 =	sne.s32 s18, $0x1FE00;
	v25 =	vld [tilespmem:s17+$0x8030];
	v24 =	vmax.f32 v24, v19;
	v22 =	vmax.f32 v22, v20;
	v23 =	vmax.f32 v23, v21;
	v19 =	vmovc v9  }
0x72: {  	v21 =	vld [tilespmem:s17+$0x8070];
	s17 =	sshra.s32 s18, $0x2;
	v20 =	vmov v8  }
0x73: {  	v26 =	vld [tilespmem:s17+$0x8040]  }
.Ltmp3:
0x74: {  	v15 =	vmul.f32 v15, v15;
	v27 =	vmul.f32 v13, v13;
	v9 =	vld [tilespmem:s17+$0x8050];
	(pc) =	sbr.rel @p0 .LBB2_8-.Ltmp3, $4  }
0x75: {  	v19 =	vmul.f32 v19, v19;
	v28 =	vmul.f32 v14, v14;
	v8 =	vld [tilespmem:s17+$0x8060]  }
0x76: {  	v10 =	vmax.f32 v10, v27;
	v27 =	vmul.f32 v11, v11;
	v13 =	vld [tilespmem:s17+$0x8000];
	v25 =	vmul.f32 v25, v25  }
0x77: {  	v20 =	vmul.f32 v20, v20;
	v10 =	vmax.f32 v10, v15;
	v14 =	vld [tilespmem:s17+$0x8010];
	v21 =	vmul.f32 v21, v21  }
0x78: {  	s18 =	sadd.s32 $0x200, s18;
	v24 =	vmax.f32 v24, v28;
	v22 =	vmax.f32 v22, v27;
	v11 =	vld [tilespmem:s17+$0x8020];
	v23 =	vmax.f32 v23, v25;
	v15 =	vmovc v26  }
0x79: {  	v0 =	vmax.f32 v0, v1;
	v45 =	vmax.f32 v2, v3  }
0x7a: {  	v0 =	vmax.f32 v0, v45  }
0x7b: {  	(v2sf) =	vpush v0, $0x0  }
0x7c: {  	(v2sf) =	vpush v0, $0x1  }
0x7d: {  	(v2sf) =	vpush v0, $0x2  }
0x7e: {  	(v2sf) =	vpush v0, $0x3  }
0x7f: {  	(v2sf) =	vpush v0, $0x4  }
0x80: {  	(v2sf) =	vpush v0, $0x5  }
0x81: {  	(v2sf) =	vpush v0, $0x6  }
0x82: {  	(v2sf) =	vpush v0, $0x7  }
0x83: {  	(v2sf) =	vpush v0, $0x8  }
0x84: {  	(v2sf) =	vpush v0, $0x9  }
0x85: {  	(v2sf) =	vpush v0, $0xA  }
0x86: {  	(v2sf) =	vpush v0, $0xB  }
0x87: {  	(v2sf) =	vpush v0, $0xC  }
0x88: {  	(v2sf) =	vpush v0, $0xD  }
0x89: {  	v46 =	vmax.f32 v4, v5;
	v47 =	vmax.f32 v6, v7;
	(v2sf) =	vpush v0, $0xE  }
0x8a: {  	v48 =	vmax.f32 v46, v47;
	s21 =	spop (v2sf);
	(v2sf) =	vpush v0, $0xF  }
0x8b: {  	s22 =	spop (v2sf);
	(v2sf) =	vpush v48, $0x0  }
0x8c: {  	s23 =	spop (v2sf);
	(v2sf) =	vpush v48, $0x1  }
0x8d: {  	s24 =	spop (v2sf);
	(v2sf) =	vpush v48, $0x2  }
0x8e: {  	s25 =	spop (v2sf);
	(v2sf) =	vpush v48, $0x3  }
0x8f: {  	s26 =	spop (v2sf);
	(v2sf) =	vpush v48, $0x4  }
0x90: {  	s28 =	spop (v2sf);
	(v2sf) =	vpush v48, $0x5  }
0x91: {  	s29 =	spop (v2sf);
	(v2sf) =	vpush v48, $0x6  }
0x92: {  	s30 =	spop (v2sf);
	(v2sf) =	vpush v48, $0x7  }
0x93: {  	s31 =	spop (v2sf);
	(v2sf) =	vpush v48, $0x8  }
0x94: {  	s0 =	spop (v2sf);
	(v2sf) =	vpush v48, $0x9  }
0x95: {  	s5 =	smax.f32 s21, s22;
	s2 =	spop (v2sf);
	(v2sf) =	vpush v48, $0xA  }
0x96: {  	s6 =	smax.f32 s23, s24;
	s14 =	spop (v2sf);
	(v2sf) =	vpush v48, $0xB  }
0x97: {  	s5 =	smax.f32 s5, s6;
	s1 =	spop (v2sf);
	(v2sf) =	vpush v48, $0xC  }
0x98: {  	s25 =	smax.f32 s25, s26;
	s11 =	spop (v2sf);
	(v2sf) =	vpush v48, $0xD  }
0x99: {  	v49 =	vmax.f32 v12, v16;
	v50 =	vmax.f32 v17, v18;
	v52 =	vld [tilespmem:s17+$0x8030];
	s29 =	smax.f32 s28, s29;
	s4 =	spop (v2sf);
	(v2sf) =	vpush v48, $0xE  }
0x9a: {  	v54 =	vld [tilespmem:s17+$0x8070];
	v51 =	vmax.f32 v49, v50;
	s17 =	smax.f32 s25, s29;
	s18 =	spop (v2sf);
	(v2sf) =	vpush v48, $0xF  }
0x9b: {  	s30 =	smax.f32 s30, s31;
	s20 =	spop (v2sf);
	(v2sf) =	vpush v51, $0x0  }
0x9c: {  	s5 =	smax.f32 s5, s17;
	s19 =	spop (v2sf);
	(v2sf) =	vpush v51, $0x1  }
0x9d: {  	s0 =	smax.f32 s0, s2;
	s21 =	spop (v2sf);
	(v2sf) =	vpush v51, $0x2  }
0x9e: {  	s0 =	smax.f32 s30, s0;
	s22 =	spop (v2sf);
	(v2sf) =	vpush v51, $0x3  }
0x9f: {  	v53 =	vmax.f32 v24, v19;
	s1 =	smax.f32 s14, s1;
	s23 =	spop (v2sf);
	(v2sf) =	vpush v51, $0x4  }
0xa0: {  	v55 =	vmax.f32 v22, v20;
	v56 =	vmax.f32 v23, v21;
	s4 =	smax.f32 s11, s4;
	s24 =	spop (v2sf);
	(v2sf) =	vpush v51, $0x5  }
0xa1: {  	v58 =	vmul.f32 v15, v15;
	v57 =	vmul.f32 v13, v13;
	s1 =	smax.f32 s1, s4;
	s31 =	spop (v2sf);
	(v2sf) =	vpush v51, $0x6  }
0xa2: {  	v9 =	vmul.f32 v9, v9;
	v61 =	vmul.f32 v8, v8;
	s0 =	smax.f32 s0, s1;
	s2 =	spop (v2sf);
	(v2sf) =	vpush v51, $0x7  }
0xa3: {  	v59 =	vmul.f32 v14, v14;
	v6 =	vmax.f32 v10, v57;
	s17 =	smax.f32 s5, s0;
	s14 =	spop (v2sf);
	(v2sf) =	vpush v51, $0x8  }
0xa4: {  	v60 =	vmul.f32 v11, v11;
	v1 =	vmul.f32 v52, v52;
	s5 =	smax.f32 s18, s20;
	s11 =	spop (v2sf);
	(v2sf) =	vpush v51, $0x9  }
0xa5: {  	v6 =	vmax.f32 v6, v58;
	v3 =	vmul.f32 v54, v54;
	s19 =	smax.f32 s19, s21;
	s6 =	spop (v2sf);
	(v2sf) =	vpush v51, $0xA  }
0xa6: {  	v2 =	vmax.f32 v53, v59;
	v4 =	vmax.f32 v55, v60;
	s5 =	smax.f32 s5, s19;
	s25 =	spop (v2sf);
	(v2sf) =	vpush v51, $0xB  }
0xa7: {  	v2 =	vmax.f32 v2, v9;
	v1 =	vmax.f32 v56, v1;
	s30 =	smax.f32 s22, s23;
	s26 =	spop (v2sf);
	(v2sf) =	vpush v51, $0xC  }
0xa8: {  	v4 =	vmax.f32 v4, v61;
	v1 =	vmax.f32 v1, v3;
	s31 =	smax.f32 s24, s31;
	s4 =	spop (v2sf);
	(v2sf) =	vpush v51, $0xD  }
0xa9: {  	v2 =	vmax.f32 v6, v2;
	v1 =	vmax.f32 v4, v1;
	s21 =	smax.f32 s30, s31;
	s29 =	spop (v2sf);
	(v2sf) =	vpush v51, $0xE  }
0xaa: {  	v62 =	vmax.f32 v2, v1;
	s2 =	smax.f32 s2, s14;
	s1 =	spop (v2sf);
	(v2sf) =	vpush v51, $0xF  }
0xab: {  	s5 =	smax.f32 s5, s21;
	s0 =	spop (v2sf);
	(v2sf) =	vpush v62, $0x0  }
0xac: {  	s6 =	smax.f32 s11, s6;
	s18 =	spop (v2sf);
	(v2sf) =	vpush v62, $0x1  }
0xad: {  	s2 =	smax.f32 s2, s6;
	s20 =	spop (v2sf);
	(v2sf) =	vpush v62, $0x2  }
0xae: {  	s25 =	smax.f32 s25, s26;
	s22 =	spop (v2sf);
	(v2sf) =	vpush v62, $0x3  }
0xaf: {  	s4 =	smax.f32 s4, s29;
	s24 =	spop (v2sf);
	(v2sf) =	vpush v62, $0x4  }
0xb0: {  	s4 =	smax.f32 s25, s4;
	s14 =	spop (v2sf);
	(v2sf) =	vpush v62, $0x5  }
0xb1: {  	s2 =	smax.f32 s2, s4;
	s11 =	spop (v2sf);
	(v2sf) =	vpush v62, $0x6  }
0xb2: {  	s0 =	smax.f32 s1, s0;
	s26 =	spop (v2sf);
	(v2sf) =	vpush v62, $0x7  }
0xb3: {  	s2 =	smax.f32 s5, s2;
	s28 =	spop (v2sf);
	(v2sf) =	vpush v62, $0x8  }
0xb4: {  	s18 =	smax.f32 s18, s20;
	s19 =	spop (v2sf);
	(v2sf) =	vpush v62, $0x9  }
0xb5: {  	s0 =	smax.f32 s0, s18;
	s23 =	spop (v2sf);
	(v2sf) =	vpush v62, $0xA  }
0xb6: {  	s22 =	smax.f32 s22, s24;
	s6 =	spop (v2sf);
	(v2sf) =	vpush v62, $0xB  }
0xb7: {  	s11 =	smax.f32 s14, s11;
	s29 =	spop (v2sf);
	(v2sf) =	vpush v62, $0xC  }
0xb8: {  	s11 =	smax.f32 s22, s11;
	s30 =	spop (v2sf);
	(v2sf) =	vpush v62, $0xD  }
0xb9: {  	s26 =	smax.f32 s26, s28;
	s31 =	spop (v2sf);
	(v2sf) =	vpush v62, $0xE  }
0xba: {  	s0 =	smax.f32 s0, s11;
	s5 =	spop (v2sf);
	(v2sf) =	vpush v62, $0xF  }
0xbb: {  	s19 =	smax.f32 s19, s23;
	s1 =	spop (v2sf)  }
0xbc: {  	s19 =	smax.f32 s26, s19;
	s20 =	spop (v2sf)  }
0xbd: {  	s6 =	smax.f32 s6, s29;
	s24 =	spop (v2sf)  }
0xbe: {  	s4 =	smax.f32 s30, s31;
	s14 =	spop (v2sf)  }
0xbf: {  	s4 =	smax.f32 s6, s4;
	s28 =	spop (v2sf)  }
0xc0: {  	s4 =	smax.f32 s19, s4;
	s23 =	spop (v2sf)  }
0xc1: {  	s1 =	smax.f32 s5, s1;
	s25 =	spop (v2sf)  }
0xc2: {  	s0 =	smax.f32 s0, s4;
	s21 =	spop (v2sf)  }
0xc3: {  	s24 =	smax.f32 s20, s24;
	s18 =	spop (v2sf)  }
0xc4: {  	s1 =	smax.f32 s1, s24;
	s22 =	spop (v2sf)  }
0xc5: {  	s14 =	smax.f32 s14, s28;
	s26 =	spop (v2sf)  }
0xc6: {  	s25 =	smax.f32 s23, s25;
	s6 =	spop (v2sf)  }
0xc7: {  	s18 =	smax.f32 s21, s18;
	s29 =	spop (v2sf)  }
0xc8: {  	s28 =	smax.f32 s22, s26;
	s30 =	spop (v2sf)  }
0xc9: {  	s6 =	smax.f32 s6, s29;
	s31 =	spop (v2sf)  }
0xca: {  	v63 =	vmov s17;
	s29 =	smax.f32 s14, s25;
	s4 =	smax.f32 s30, s31  }
0xcb: {  	v0 =	vnsel vm0, $0x0, v63;
	s30 =	smax.f32 s18, s28;
	s4 =	smax.f32 s6, s4  }
0xcc: {  	v0 =	vsel vm1, s2, v0;
	s1 =	smax.f32 s1, s29;
	s4 =	smax.f32 s30, s4  }
0xcd: {  	s16 =	sadd.s32 $0x1, s16;
	v0 =	vsel vm2, s0, v0;
	s1 =	smax.f32 s1, s4  }
0xce: {  	p0 =	sne.s32 s16, s8;
	v0 =	vsel vm3, s1, v0  }
.Ltmp4:
0xcf: {  	s0 =	simm.s32 $0x0;
	s31 =	simm.s32 $0x10000;
	[tilespmem:$0x10000] =	vst v0;
	(pc) =	sbr.rel @p0 .LBB2_1-.Ltmp4, $4  }
0xd0: {  	[hbm4b:s7+s0] =	stream.linear.scatter [tilespmem:s31], [sflag:$0x3], $0x80, $0x38;
	[tilespmem:$0x10080] =	vst v63  }
0xd1: {  	_ =	swait.ge [sflag:s15], $0x80  }
0xd2: {  	[sflag:s15] =	ssyncset.done $0x0  }
0xd3: {  	s1 =	simm.s32 $0x8000;
	[sflag:s15] =	ssyncadd.s32 $0xFFFFFF80  }
0xd4: {  	_ =	sfence.sel $0x180000  }
0xd5: {  	[bflag:$0x0] =	sbarrier.arrive $0xFFFF  }
0xd6: {  	_ =	strace $0x90000047  }
0xd7: {  	s0 =	stileid.u32;
	[bflag:$0x2] =	sbarrier.arrive $0xFFFF  }
0xd8: {  	p0 =	sne.s32 s0, $0x0;
	s0 =	rddreg [dreg:$0x2]  }
0xd9: {  	s0 =	sadd.s32 @!p0 $0x100000, s0  }
0xda: {  	[sflag:s0] =	ssyncadd.tile.s32 @!p0 $0x1;
	_ =	shalt  }
.Lfunc_end2:
_tile_overlayer_lowered:
.L_overlay_start_2:
0xdb: {  	(tag) =	ssettag $0x2  }
0xdc: {  	s0 =	rddreg [dreg:$0x0];
	s2 =	stileid.u32  }
0xdd: {  	s1 =	rddreg [dreg:$0x1];
	p0 =	sne.s32 s2, $0x0  }
0xde: {  	s3 =	rddreg [dreg:$0x2];
	[bflag:$0x3] =	sbarrier.arrive $0xFFFF;
	s2 =	simm.s32 @!p0 $0x1C03  }
0xdf: {  	[timem:s3], [sflag:s2] =	dma.local @!p0 [hbm:s0], s1  }
0xe0: {  	s0 =	simm.s32 @!p0 $0x3  }
0xe1: {  	_ =	swait.ge @!p0 [sflag:s0], s1  }
0xe2: {  	s1 =	ssub.s32 @!p0 $0x0, s1;
	[sflag:s0] =	ssyncset.done @!p0 $0x0  }
0xe3: {  	[sflag:s0] =	ssyncadd.s32 @!p0 s1  }
0xe4: {  	[bflag:$0x3] =	sbarrier.arrive $0xFFFF  }
0xe5: {  	_ =	shalt  }

</sc_bundles>
